<compile_context>
chip_gen: v7x
topology: tpu7x:2x2x1
jax: 0.10.2.dev20260603
libtpu: 0.0.44.dev20260713+nightly
codegen_flags: <defaults>
</compile_context>

<pallas_src>
import functools

import jax
import jax.numpy as jnp
from jax import lax
from jax.experimental import pallas as pl
from jax.experimental.pallas import tpu as pltpu
from jax.experimental.pallas import tpu_sc as plsc

_N = 10000
_E = 320000
_D = 128

_NC = 2
_NS = 16
_NW = _NC * _NS
_EPW = _E // _NW
_CH = 125
_NCH = _EPW // _CH
_HCH = _NCH // 2
_RPT = 624
_REM = _N - _NS * _RPT
_ZROWS = 16


def _segsum_body(h_hbm, src_hbm, dst_hbm, out_hbm, src_v, dst_v, rows0, rows1,
                 zbuf, acc, sem0, sem1):
    cid = lax.axis_index("c")
    sid = lax.axis_index("s")
    wid = cid * _NS + sid

    zeros16 = jnp.zeros((16,), jnp.float32)

    def _zrow(r, carry):
        for j in range(_D // 16):
            zbuf[r, pl.ds(j * 16, 16)] = zeros16
        return carry

    lax.fori_loop(0, _ZROWS, _zrow, 0)
    base = sid * _RPT
    for i in range(_RPT // _ZROWS):
        pltpu.async_copy(zbuf, acc.at[pl.ds(base + i * _ZROWS, _ZROWS)], sem1)

    @pl.when(sid == _NS - 1)
    def _zrem():
        pltpu.async_copy(zbuf.at[pl.ds(0, _REM)],
                         acc.at[pl.ds(_NS * _RPT, _REM)], sem1)

    pltpu.sync_copy(src_hbm.at[wid].at[pl.ds(0, _HCH)], src_v)
    pltpu.sync_copy(dst_hbm.at[wid].at[pl.ds(0, _HCH)], dst_v)
    pltpu.async_copy(h_hbm.at[src_v.at[0]], rows0, sem0)

    for i in range(_RPT // _ZROWS):
        pltpu.make_async_copy(zbuf, acc.at[pl.ds(base + i * _ZROWS, _ZROWS)],
                              sem1).wait()

    @pl.when(sid == _NS - 1)
    def _zremw():
        pltpu.make_async_copy(zbuf.at[pl.ds(0, _REM)],
                              acc.at[pl.ds(_NS * _RPT, _REM)], sem1).wait()

    pltpu.async_copy(h_hbm.at[src_v.at[1]], rows1, sem1)
    plsc.subcore_barrier()

    def _half(off, stage):
        if stage:
            pltpu.sync_copy(src_hbm.at[wid].at[pl.ds(off, _HCH)], src_v)
            pltpu.sync_copy(dst_hbm.at[wid].at[pl.ds(off, _HCH)], dst_v)
            pltpu.async_copy(h_hbm.at[src_v.at[0]], rows0, sem0)
            pltpu.async_copy(h_hbm.at[src_v.at[1]], rows1, sem1)

        def _pair(i, carry):
            j0 = 2 * i
            pltpu.make_async_copy(h_hbm.at[src_v.at[j0]], rows0, sem0).wait()
            pltpu.sync_copy(rows0, acc.at[dst_v.at[j0]], add=True)

            @pl.when(i + 1 < _HCH // 2)
            def _issue0():
                pltpu.async_copy(h_hbm.at[src_v.at[j0 + 2]], rows0, sem0)

            j1 = j0 + 1
            pltpu.make_async_copy(h_hbm.at[src_v.at[j1]], rows1, sem1).wait()
            pltpu.sync_copy(rows1, acc.at[dst_v.at[j1]], add=True)

            @pl.when(i + 1 < _HCH // 2)
            def _issue1():
                pltpu.async_copy(h_hbm.at[src_v.at[j1 + 2]], rows1, sem1)
            return carry

        lax.fori_loop(0, _HCH // 2, _pair, 0)

    _half(0, stage=False)
    _half(_HCH, stage=True)
    plsc.subcore_barrier()

    pltpu.sync_copy(acc.at[pl.ds(base, _RPT)], out_hbm.at[cid, pl.ds(base, _RPT)])

    @pl.when(sid == _NS - 1)
    def _wrem():
        pltpu.sync_copy(acc.at[pl.ds(_NS * _RPT, _REM)],
                        out_hbm.at[cid, pl.ds(_NS * _RPT, _REM)])


@jax.jit
def _segsum_sc(h, src3, dst3):
    mesh = plsc.VectorSubcoreMesh(core_axis_name="c", subcore_axis_name="s")
    return pl.kernel(
        _segsum_body,
        out_type=jax.ShapeDtypeStruct((_NC, _N, _D), jnp.float32),
        mesh=mesh,
        scratch_types=[
            pltpu.VMEM((_HCH, _CH), jnp.int32),
            pltpu.VMEM((_HCH, _CH), jnp.int32),
            pltpu.VMEM((_CH, _D), jnp.float32),
            pltpu.VMEM((_CH, _D), jnp.float32),
            pltpu.VMEM((_ZROWS, _D), jnp.float32),
            pltpu.VMEM_SHARED((_N, _D), jnp.float32),
            pltpu.SemaphoreType.DMA,
            pltpu.SemaphoreType.DMA,
        ],
    )(h, src3, dst3)


def _mlp_body_bn(h_ref, a_ref, W1_ref, b1_ref, g1_ref, be1_ref, W2_ref, b2_ref,
                 bng_ref, bnb_ref, out_ref):
    _mlp_common(h_ref, a_ref, W1_ref, b1_ref, g1_ref, be1_ref, W2_ref, b2_ref,
                bng_ref, bnb_ref, out_ref)


def _mlp_body_nobn(h_ref, a_ref, W1_ref, b1_ref, g1_ref, be1_ref, W2_ref, b2_ref,
                   out_ref):
    _mlp_common(h_ref, a_ref, W1_ref, b1_ref, g1_ref, be1_ref, W2_ref, b2_ref,
                None, None, out_ref)


def _mlp_common(h_ref, a_ref, W1_ref, b1_ref, g1_ref, be1_ref, W2_ref, b2_ref,
                bng_ref, bnb_ref, out_ref):
    t = h_ref[...] + a_ref[0] + a_ref[1]
    u = jnp.dot(t, W1_ref[...], preferred_element_type=jnp.float32)
    u = u + b1_ref[...][None, :]
    m = jnp.mean(u, axis=0, keepdims=True)
    v = jnp.mean((u - m) * (u - m), axis=0, keepdims=True)
    u = (u - m) * lax.rsqrt(v + 1e-5) * g1_ref[...][None, :] + be1_ref[...][None, :]
    u = jnp.maximum(u, 0.0)
    h2 = jnp.dot(u, W2_ref[...], preferred_element_type=jnp.float32)
    h2 = h2 + b2_ref[...][None, :]
    if bng_ref is not None:
        m2 = jnp.mean(h2, axis=0, keepdims=True)
        v2 = jnp.mean((h2 - m2) * (h2 - m2), axis=0, keepdims=True)
        h2 = (h2 - m2) * lax.rsqrt(v2 + 1e-5) * bng_ref[...][None, :] \
            + bnb_ref[...][None, :]
    out_ref[...] = h2


def _mlp_tc(h, a, W1, b1, g1, be1, W2, b2, bng=None, bnb=None):
    out_shape = jax.ShapeDtypeStruct((_N, _D), jnp.float32)
    if bng is not None:
        return pl.pallas_call(_mlp_body_bn, out_shape=out_shape)(
            h, a, W1, b1, g1, be1, W2, b2, bng, bnb)
    return pl.pallas_call(_mlp_body_nobn, out_shape=out_shape)(
        h, a, W1, b1, g1, be1, W2, b2)


def kernel(x, g, W1_0, b1_0, g1_0, be1_0, W2_0, b2_0, W1_1, b1_1, g1_1, be1_1,
           W2_1, b2_1, W1_2, b1_2, g1_2, be1_2, W2_2, b2_2, bng_0, bnb_0,
           bng_1, bnb_1):
    src3 = g[0].reshape(_NW, _NCH, _CH)
    dst3 = g[1].reshape(_NW, _NCH, _CH)

    a0 = _segsum_sc(x, src3, dst3)
    h1 = _mlp_tc(x, a0, W1_0, b1_0, g1_0, be1_0, W2_0, b2_0, bng_0, bnb_0)
    a1 = _segsum_sc(h1, src3, dst3)
    h2 = _mlp_tc(h1, a1, W1_1, b1_1, g1_1, be1_1, W2_1, b2_1, bng_1, bnb_1)
    a2 = _segsum_sc(h2, src3, dst3)
    return _mlp_tc(h2, a2, W1_2, b1_2, g1_2, be1_2, W2_2, b2_2)

# --- scband reference (transcript-rebuilt; emitter-appended) ---
"""Pipeline reference for scband-gin-78091095375970 (READ-ONLY COPY).

The authoritative reference and input builder live on the scoring server;
editing this copy changes nothing except your own understanding.
"""

import jax, jax.numpy as jnp
import numpy as np

N = 10000
E = 320000
D_IN = 128
D_HID = 128
D_OUT = 128


def _init_params(key):
    dims = [(D_IN, D_HID, D_HID), (D_HID, D_HID, D_HID), (D_HID, D_HID, D_OUT)]
    params = {}
    k = key
    for l, (di, dh, do) in enumerate(dims):
        k, k1, k2 = jax.random.split(k, 3)
        params[f"W1_{l}"] = jax.random.normal(k1, (di, dh), dtype=jnp.float32) / np.sqrt(di)
        params[f"b1_{l}"] = jnp.zeros((dh,), jnp.float32)
        params[f"g1_{l}"] = jnp.ones((dh,), jnp.float32)
        params[f"be1_{l}"] = jnp.zeros((dh,), jnp.float32)
        params[f"W2_{l}"] = jax.random.normal(k2, (dh, do), dtype=jnp.float32) / np.sqrt(dh)
        params[f"b2_{l}"] = jnp.zeros((do,), jnp.float32)
    for l in range(2):
        params[f"bng_{l}"] = jnp.ones((D_HID,), jnp.float32)
        params[f"bnb_{l}"] = jnp.zeros((D_HID,), jnp.float32)
    return params


def setup_inputs(seed: int = 0):
    key = jax.random.key(seed)
    kx, ke, kp = jax.random.split(key, 3)
    inp = {
        "x": jax.random.normal(kx, (N, D_IN), dtype=jnp.float32),
        "g": jax.random.randint(ke, (2, E), 0, N, dtype=jnp.int32),
    }
    inp.update(_init_params(kp))
    return inp


def _bn(h, g, b):
    m = jnp.mean(h, axis=0)
    v = jnp.var(h, axis=0)
    return (h - m) / jnp.sqrt(v + 1e-5) * g + b


def _gin_forward(x, edge_index, p):
    src, dst = edge_index[0], edge_index[1]
    h = x
    for l in range(3):
        if l != 0:
            # dropout is identity in eval mode; outer BatchNorm1d (training-mode batch stats)
            h = _bn(h, p[f"bng_{l-1}"], p[f"bnb_{l-1}"])
        # GINConv with aggregator 'sum' and eps=0: (1+eps)*h + sum_{j in N(i)} h_j
        agg = jax.ops.segment_sum(h[src], dst, num_segments=N)
        h = h + agg
        # MLP apply_func: Linear -> BN -> ReLU -> (dropout=identity) -> Linear
        h = h @ p[f"W1_{l}"] + p[f"b1_{l}"]
        h = _bn(h, p[f"g1_{l}"], p[f"be1_{l}"])
        h = jax.nn.relu(h)
        h = h @ p[f"W2_{l}"] + p[f"b2_{l}"]
    return h


def reference(x, g, W1_0, b1_0, g1_0, be1_0, W2_0, b2_0,
              W1_1, b1_1, g1_1, be1_1, W2_1, b2_1,
              W1_2, b1_2, g1_2, be1_2, W2_2, b2_2,
              bng_0, bnb_0, bng_1, bnb_1):
    edge_index = g
    p = {
        "W1_0": W1_0, "b1_0": b1_0, "g1_0": g1_0, "be1_0": be1_0, "W2_0": W2_0, "b2_0": b2_0,
        "W1_1": W1_1, "b1_1": b1_1, "g1_1": g1_1, "be1_1": be1_1, "W2_1": W2_1, "b2_1": b2_1,
        "W1_2": W1_2, "b1_2": b1_2, "g1_2": g1_2, "be1_2": be1_2, "W2_2": W2_2, "b2_2": b2_2,
        "bng_0": bng_0, "bnb_0": bnb_0, "bng_1": bng_1, "bnb_1": bnb_1,
    }
    return _gin_forward(x, edge_index, p)

if __name__ == "__main__":
    import jax
    _d = setup_inputs()
    print(jax.jit(kernel)(*tuple(_d.values())))

</pallas_src>

<mosaic_0001>
#map = affine_map<(d0, d1) -> (0, 0)>
#map1 = affine_map<(d0, d1) -> (0, 0, 0)>
module attributes {stable_mosaic.version = 14 : i64} {
  func.func @_segsum_body(%arg0: i32, %arg1: i32, %arg2: memref<10000x128xf32, #tpu.memory_space<hbm>>, %arg3: memref<32x80x125xi32, #tpu.memory_space<hbm>>, %arg4: memref<32x80x125xi32, #tpu.memory_space<hbm>>, %arg5: memref<2x10000x128xf32, #tpu.memory_space<hbm>>, %arg6: memref<40x125xi32, #tpu.memory_space<vmem>>, %arg7: memref<40x125xi32, #tpu.memory_space<vmem>>, %arg8: memref<125x128xf32, #tpu.memory_space<vmem>>, %arg9: memref<125x128xf32, #tpu.memory_space<vmem>>, %arg10: memref<16x128xf32, #tpu.memory_space<vmem>>, %arg11: memref<10000x128xf32, #tpu.memory_space<vmem_shared>>, %arg12: memref<!tpu.dma_semaphore, #tpu.memory_space<semaphore_mem>>, %arg13: memref<!tpu.dma_semaphore, #tpu.memory_space<semaphore_mem>>) attributes {dimension_semantics = [#tpu.dimension_semantics<core_parallel>, #tpu.dimension_semantics<subcore_parallel>], iteration_bounds = array<i64: 2, 16>, scalar_prefetch = 0 : i64, scratch_operands = 8 : i64, tpu.core_type = #tpu.core_type<sc_vector_subcore>, window_params = [{transform_indices = #map}, {transform_indices = #map1}, {transform_indices = #map1}, {transform_indices = #map1}]} {
    %mul3A = arith.constant 16 : i32
    %mul3A_0 = arith.muli %arg0, %mul3A : i32
    %add3A = arith.addi %mul3A_0, %arg1 : i32
    %broadcast_in_dim3A = arith.constant 0.000000e+00 : f32
    %broadcast_in_dim3A_1 = vector.broadcast %broadcast_in_dim3A : f32 to vector<16xf32>
    %scan3A = arith.constant 0 : i32
    %scan3A_2 = arith.constant 0 : i32
    %scan3A_3 = arith.constant 16 : i32
    %scan3A_4 = arith.addi %scan3A_2, %scan3A_3 : i32
    %scan3A_5 = arith.constant 1 : i32
    scf.for %scan3A_528 = %scan3A_2 to %scan3A_4 step %scan3A_5  : i32 {
      %swap3A = arith.index_cast %scan3A_528 : i32 to index
      %swap3A_529 = arith.constant 0 : index
      %swap3A_530 = tpu.vector_load %arg10[%swap3A, %swap3A_529] {strides = array<i32>} : memref<16x128xf32, #tpu.memory_space<vmem>>, vector<1x16xf32>,
      %swap3A_531 = vector.shape_cast %swap3A_530 : vector<1x16xf32> to vector<16xf32>
      %swap3A_532 = vector.shape_cast %broadcast_in_dim3A_1 : vector<16xf32> to vector<1x16xf32>
      tpu.vector_store %arg10[%swap3A, %swap3A_529], %swap3A_532 {strides = array<i32>} : memref<16x128xf32, #tpu.memory_space<vmem>>, vector<1x16xf32>,
      %swap3A_533 = arith.index_cast %scan3A_528 : i32 to index
      %swap3A_534 = arith.constant 16 : index
      %swap3A_535 = tpu.vector_load %arg10[%swap3A_533, %swap3A_534] {strides = array<i32>} : memref<16x128xf32, #tpu.memory_space<vmem>>, vector<1x16xf32>,
      %swap3A_536 = vector.shape_cast %swap3A_535 : vector<1x16xf32> to vector<16xf32>
      %swap3A_537 = vector.shape_cast %broadcast_in_dim3A_1 : vector<16xf32> to vector<1x16xf32>
      tpu.vector_store %arg10[%swap3A_533, %swap3A_534], %swap3A_537 {strides = array<i32>} : memref<16x128xf32, #tpu.memory_space<vmem>>, vector<1x16xf32>,
      %swap3A_538 = arith.index_cast %scan3A_528 : i32 to index
      %swap3A_539 = arith.constant 32 : index
      %swap3A_540 = tpu.vector_load %arg10[%swap3A_538, %swap3A_539] {strides = array<i32>} : memref<16x128xf32, #tpu.memory_space<vmem>>, vector<1x16xf32>,
      %swap3A_541 = vector.shape_cast %swap3A_540 : vector<1x16xf32> to vector<16xf32>
      %swap3A_542 = vector.shape_cast %broadcast_in_dim3A_1 : vector<16xf32> to vector<1x16xf32>
      tpu.vector_store %arg10[%swap3A_538, %swap3A_539], %swap3A_542 {strides = array<i32>} : memref<16x128xf32, #tpu.memory_space<vmem>>, vector<1x16xf32>,
      %swap3A_543 = arith.index_cast %scan3A_528 : i32 to index
      %swap3A_544 = arith.constant 48 : index
      %swap3A_545 = tpu.vector_load %arg10[%swap3A_543, %swap3A_544] {strides = array<i32>} : memref<16x128xf32, #tpu.memory_space<vmem>>, vector<1x16xf32>,
      %swap3A_546 = vector.shape_cast %swap3A_545 : vector<1x16xf32> to vector<16xf32>
      %swap3A_547 = vector.shape_cast %broadcast_in_dim3A_1 : vector<16xf32> to vector<1x16xf32>
      tpu.vector_store %arg10[%swap3A_543, %swap3A_544], %swap3A_547 {strides = array<i32>} : memref<16x128xf32, #tpu.memory_space<vmem>>, vector<1x16xf32>,
      %swap3A_548 = arith.index_cast %scan3A_528 : i32 to index
      %swap3A_549 = arith.constant 64 : index
      %swap3A_550 = tpu.vector_load %arg10[%swap3A_548, %swap3A_549] {strides = array<i32>} : memref<16x128xf32, #tpu.memory_space<vmem>>, vector<1x16xf32>,
      %swap3A_551 = vector.shape_cast %swap3A_550 : vector<1x16xf32> to vector<16xf32>
      %swap3A_552 = vector.shape_cast %broadcast_in_dim3A_1 : vector<16xf32> to vector<1x16xf32>
      tpu.vector_store %arg10[%swap3A_548, %swap3A_549], %swap3A_552 {strides = array<i32>} : memref<16x128xf32, #tpu.memory_space<vmem>>, vector<1x16xf32>,
      %swap3A_553 = arith.index_cast %scan3A_528 : i32 to index
      %swap3A_554 = arith.constant 80 : index
      %swap3A_555 = tpu.vector_load %arg10[%swap3A_553, %swap3A_554] {strides = array<i32>} : memref<16x128xf32, #tpu.memory_space<vmem>>, vector<1x16xf32>,
      %swap3A_556 = vector.shape_cast %swap3A_555 : vector<1x16xf32> to vector<16xf32>
      %swap3A_557 = vector.shape_cast %broadcast_in_dim3A_1 : vector<16xf32> to vector<1x16xf32>
      tpu.vector_store %arg10[%swap3A_553, %swap3A_554], %swap3A_557 {strides = array<i32>} : memref<16x128xf32, #tpu.memory_space<vmem>>, vector<1x16xf32>,
      %swap3A_558 = arith.index_cast %scan3A_528 : i32 to index
      %swap3A_559 = arith.constant 96 : index
      %swap3A_560 = tpu.vector_load %arg10[%swap3A_558, %swap3A_559] {strides = array<i32>} : memref<16x128xf32, #tpu.memory_space<vmem>>, vector<1x16xf32>,
      %swap3A_561 = vector.shape_cast %swap3A_560 : vector<1x16xf32> to vector<16xf32>
      %swap3A_562 = vector.shape_cast %broadcast_in_dim3A_1 : vector<16xf32> to vector<1x16xf32>
      tpu.vector_store %arg10[%swap3A_558, %swap3A_559], %swap3A_562 {strides = array<i32>} : memref<16x128xf32, #tpu.memory_space<vmem>>, vector<1x16xf32>,
      %swap3A_563 = arith.index_cast %scan3A_528 : i32 to index
      %swap3A_564 = arith.constant 112 : index
      %swap3A_565 = tpu.vector_load %arg10[%swap3A_563, %swap3A_564] {strides = array<i32>} : memref<16x128xf32, #tpu.memory_space<vmem>>, vector<1x16xf32>,
      %swap3A_566 = vector.shape_cast %swap3A_565 : vector<1x16xf32> to vector<16xf32>
      %swap3A_567 = vector.shape_cast %broadcast_in_dim3A_1 : vector<16xf32> to vector<1x16xf32>
      tpu.vector_store %arg10[%swap3A_563, %swap3A_564], %swap3A_567 {strides = array<i32>} : memref<16x128xf32, #tpu.memory_space<vmem>>, vector<1x16xf32>,
    }
    %scan3A_6 = arith.constant 16 : i32
    %mul3A_7 = arith.constant 624 : i32
    %mul3A_8 = arith.muli %arg1, %mul3A_7 : i32
    %add3A_9 = arith.constant 0 : i32
    %add3A_10 = arith.addi %mul3A_8, %add3A_9 : i32
    %dma_start3A = arith.constant 0 : i32
    %dma_start3A_11 = tpu.memref_slice %arg11[%add3A_10, %dma_start3A] : memref<10000x128xf32, #tpu.memory_space<vmem_shared>> -> memref<16x128xf32, #tpu.memory_space<vmem_shared>>
    %dma_start3A_12 = arith.constant 0 : i32
    %dma_start3A_13 = tpu.memref_slice %arg11[%add3A_10, %dma_start3A_12] : memref<10000x128xf32, #tpu.memory_space<vmem_shared>> -> memref<16x128xf32, #tpu.memory_space<vmem_shared>>
    tpu.enqueue_dma source(%arg10 : memref<16x128xf32, #tpu.memory_space<vmem>>) target(%dma_start3A_13 : memref<16x128xf32, #tpu.memory_space<vmem_shared>>) target_semaphore(%arg13 : memref<!tpu.dma_semaphore, #tpu.memory_space<semaphore_mem>>)
    %add3A_14 = arith.constant 16 : i32
    %add3A_15 = arith.addi %mul3A_8, %add3A_14 : i32
    %dma_start3A_16 = arith.constant 0 : i32
    %dma_start3A_17 = tpu.memref_slice %arg11[%add3A_15, %dma_start3A_16] : memref<10000x128xf32, #tpu.memory_space<vmem_shared>> -> memref<16x128xf32, #tpu.memory_space<vmem_shared>>
    %dma_start3A_18 = arith.constant 0 : i32
    %dma_start3A_19 = tpu.memref_slice %arg11[%add3A_15, %dma_start3A_18] : memref<10000x128xf32, #tpu.memory_space<vmem_shared>> -> memref<16x128xf32, #tpu.memory_space<vmem_shared>>
    tpu.enqueue_dma source(%arg10 : memref<16x128xf32, #tpu.memory_space<vmem>>) target(%dma_start3A_19 : memref<16x128xf32, #tpu.memory_space<vmem_shared>>) target_semaphore(%arg13 : memref<!tpu.dma_semaphore, #tpu.memory_space<semaphore_mem>>)
    %add3A_20 = arith.constant 32 : i32
    %add3A_21 = arith.addi %mul3A_8, %add3A_20 : i32
    %dma_start3A_22 = arith.constant 0 : i32
    %dma_start3A_23 = tpu.memref_slice %arg11[%add3A_21, %dma_start3A_22] : memref<10000x128xf32, #tpu.memory_space<vmem_shared>> -> memref<16x128xf32, #tpu.memory_space<vmem_shared>>
    %dma_start3A_24 = arith.constant 0 : i32
    %dma_start3A_25 = tpu.memref_slice %arg11[%add3A_21, %dma_start3A_24] : memref<10000x128xf32, #tpu.memory_space<vmem_shared>> -> memref<16x128xf32, #tpu.memory_space<vmem_shared>>
    tpu.enqueue_dma source(%arg10 : memref<16x128xf32, #tpu.memory_space<vmem>>) target(%dma_start3A_25 : memref<16x128xf32, #tpu.memory_space<vmem_shared>>) target_semaphore(%arg13 : memref<!tpu.dma_semaphore, #tpu.memory_space<semaphore_mem>>)
    %add3A_26 = arith.constant 48 : i32
    %add3A_27 = arith.addi %mul3A_8, %add3A_26 : i32
    %dma_start3A_28 = arith.constant 0 : i32
    %dma_start3A_29 = tpu.memref_slice %arg11[%add3A_27, %dma_start3A_28] : memref<10000x128xf32, #tpu.memory_space<vmem_shared>> -> memref<16x128xf32, #tpu.memory_space<vmem_shared>>
    %dma_start3A_30 = arith.constant 0 : i32
    %dma_start3A_31 = tpu.memref_slice %arg11[%add3A_27, %dma_start3A_30] : memref<10000x128xf32, #tpu.memory_space<vmem_shared>> -> memref<16x128xf32, #tpu.memory_space<vmem_shared>>
    tpu.enqueue_dma source(%arg10 : memref<16x128xf32, #tpu.memory_space<vmem>>) target(%dma_start3A_31 : memref<16x128xf32, #tpu.memory_space<vmem_shared>>) target_semaphore(%arg13 : memref<!tpu.dma_semaphore, #tpu.memory_space<semaphore_mem>>)
    %add3A_32 = arith.constant 64 : i32
    %add3A_33 = arith.addi %mul3A_8, %add3A_32 : i32
    %dma_start3A_34 = arith.constant 0 : i32
    %dma_start3A_35 = tpu.memref_slice %arg11[%add3A_33, %dma_start3A_34] : memref<10000x128xf32, #tpu.memory_space<vmem_shared>> -> memref<16x128xf32, #tpu.memory_space<vmem_shared>>
    %dma_start3A_36 = arith.constant 0 : i32
    %dma_start3A_37 = tpu.memref_slice %arg11[%add3A_33, %dma_start3A_36] : memref<10000x128xf32, #tpu.memory_space<vmem_shared>> -> memref<16x128xf32, #tpu.memory_space<vmem_shared>>
    tpu.enqueue_dma source(%arg10 : memref<16x128xf32, #tpu.memory_space<vmem>>) target(%dma_start3A_37 : memref<16x128xf32, #tpu.memory_space<vmem_shared>>) target_semaphore(%arg13 : memref<!tpu.dma_semaphore, #tpu.memory_space<semaphore_mem>>)
    %add3A_38 = arith.constant 80 : i32
    %add3A_39 = arith.addi %mul3A_8, %add3A_38 : i32
    %dma_start3A_40 = arith.constant 0 : i32
    %dma_start3A_41 = tpu.memref_slice %arg11[%add3A_39, %dma_start3A_40] : memref<10000x128xf32, #tpu.memory_space<vmem_shared>> -> memref<16x128xf32, #tpu.memory_space<vmem_shared>>
    %dma_start3A_42 = arith.constant 0 : i32
    %dma_start3A_43 = tpu.memref_slice %arg11[%add3A_39, %dma_start3A_42] : memref<10000x128xf32, #tpu.memory_space<vmem_shared>> -> memref<16x128xf32, #tpu.memory_space<vmem_shared>>
    tpu.enqueue_dma source(%arg10 : memref<16x128xf32, #tpu.memory_space<vmem>>) target(%dma_start3A_43 : memref<16x128xf32, #tpu.memory_space<vmem_shared>>) target_semaphore(%arg13 : memref<!tpu.dma_semaphore, #tpu.memory_space<semaphore_mem>>)
    %add3A_44 = arith.constant 96 : i32
    %add3A_45 = arith.addi %mul3A_8, %add3A_44 : i32
    %dma_start3A_46 = arith.constant 0 : i32
    %dma_start3A_47 = tpu.memref_slice %arg11[%add3A_45, %dma_start3A_46] : memref<10000x128xf32, #tpu.memory_space<vmem_shared>> -> memref<16x128xf32, #tpu.memory_space<vmem_shared>>
    %dma_start3A_48 = arith.constant 0 : i32
    %dma_start3A_49 = tpu.memref_slice %arg11[%add3A_45, %dma_start3A_48] : memref<10000x128xf32, #tpu.memory_space<vmem_shared>> -> memref<16x128xf32, #tpu.memory_space<vmem_shared>>
    tpu.enqueue_dma source(%arg10 : memref<16x128xf32, #tpu.memory_space<vmem>>) target(%dma_start3A_49 : memref<16x128xf32, #tpu.memory_space<vmem_shared>>) target_semaphore(%arg13 : memref<!tpu.dma_semaphore, #tpu.memory_space<semaphore_mem>>)
    %add3A_50 = arith.constant 112 : i32
    %add3A_51 = arith.addi %mul3A_8, %add3A_50 : i32
    %dma_start3A_52 = arith.constant 0 : i32
    %dma_start3A_53 = tpu.memref_slice %arg11[%add3A_51, %dma_start3A_52] : memref<10000x128xf32, #tpu.memory_space<vmem_shared>> -> memref<16x128xf32, #tpu.memory_space<vmem_shared>>
    %dma_start3A_54 = arith.constant 0 : i32
    %dma_start3A_55 = tpu.memref_slice %arg11[%add3A_51, %dma_start3A_54] : memref<10000x128xf32, #tpu.memory_space<vmem_shared>> -> memref<16x128xf32, #tpu.memory_space<vmem_shared>>
    tpu.enqueue_dma source(%arg10 : memref<16x128xf32, #tpu.memory_space<vmem>>) target(%dma_start3A_55 : memref<16x128xf32, #tpu.memory_space<vmem_shared>>) target_semaphore(%arg13 : memref<!tpu.dma_semaphore, #tpu.memory_space<semaphore_mem>>)
    %add3A_56 = arith.constant 128 : i32
    %add3A_57 = arith.addi %mul3A_8, %add3A_56 : i32
    %dma_start3A_58 = arith.constant 0 : i32
    %dma_start3A_59 = tpu.memref_slice %arg11[%add3A_57, %dma_start3A_58] : memref<10000x128xf32, #tpu.memory_space<vmem_shared>> -> memref<16x128xf32, #tpu.memory_space<vmem_shared>>
    %dma_start3A_60 = arith.constant 0 : i32
    %dma_start3A_61 = tpu.memref_slice %arg11[%add3A_57, %dma_start3A_60] : memref<10000x128xf32, #tpu.memory_space<vmem_shared>> -> memref<16x128xf32, #tpu.memory_space<vmem_shared>>
    tpu.enqueue_dma source(%arg10 : memref<16x128xf32, #tpu.memory_space<vmem>>) target(%dma_start3A_61 : memref<16x128xf32, #tpu.memory_space<vmem_shared>>) target_semaphore(%arg13 : memref<!tpu.dma_semaphore, #tpu.memory_space<semaphore_mem>>)
    %add3A_62 = arith.constant 144 : i32
    %add3A_63 = arith.addi %mul3A_8, %add3A_62 : i32
    %dma_start3A_64 = arith.constant 0 : i32
    %dma_start3A_65 = tpu.memref_slice %arg11[%add3A_63, %dma_start3A_64] : memref<10000x128xf32, #tpu.memory_space<vmem_shared>> -> memref<16x128xf32, #tpu.memory_space<vmem_shared>>
    %dma_start3A_66 = arith.constant 0 : i32
    %dma_start3A_67 = tpu.memref_slice %arg11[%add3A_63, %dma_start3A_66] : memref<10000x128xf32, #tpu.memory_space<vmem_shared>> -> memref<16x128xf32, #tpu.memory_space<vmem_shared>>
    tpu.enqueue_dma source(%arg10 : memref<16x128xf32, #tpu.memory_space<vmem>>) target(%dma_start3A_67 : memref<16x128xf32, #tpu.memory_space<vmem_shared>>) target_semaphore(%arg13 : memref<!tpu.dma_semaphore, #tpu.memory_space<semaphore_mem>>)
    %add3A_68 = arith.constant 160 : i32
    %add3A_69 = arith.addi %mul3A_8, %add3A_68 : i32
    %dma_start3A_70 = arith.constant 0 : i32
    %dma_start3A_71 = tpu.memref_slice %arg11[%add3A_69, %dma_start3A_70] : memref<10000x128xf32, #tpu.memory_space<vmem_shared>> -> memref<16x128xf32, #tpu.memory_space<vmem_shared>>
    %dma_start3A_72 = arith.constant 0 : i32
    %dma_start3A_73 = tpu.memref_slice %arg11[%add3A_69, %dma_start3A_72] : memref<10000x128xf32, #tpu.memory_space<vmem_shared>> -> memref<16x128xf32, #tpu.memory_space<vmem_shared>>
    tpu.enqueue_dma source(%arg10 : memref<16x128xf32, #tpu.memory_space<vmem>>) target(%dma_start3A_73 : memref<16x128xf32, #tpu.memory_space<vmem_shared>>) target_semaphore(%arg13 : memref<!tpu.dma_semaphore, #tpu.memory_space<semaphore_mem>>)
    %add3A_74 = arith.constant 176 : i32
    %add3A_75 = arith.addi %mul3A_8, %add3A_74 : i32
    %dma_start3A_76 = arith.constant 0 : i32
    %dma_start3A_77 = tpu.memref_slice %arg11[%add3A_75, %dma_start3A_76] : memref<10000x128xf32, #tpu.memory_space<vmem_shared>> -> memref<16x128xf32, #tpu.memory_space<vmem_shared>>
    %dma_start3A_78 = arith.constant 0 : i32
    %dma_start3A_79 = tpu.memref_slice %arg11[%add3A_75, %dma_start3A_78] : memref<10000x128xf32, #tpu.memory_space<vmem_shared>> -> memref<16x128xf32, #tpu.memory_space<vmem_shared>>
    tpu.enqueue_dma source(%arg10 : memref<16x128xf32, #tpu.memory_space<vmem>>) target(%dma_start3A_79 : memref<16x128xf32, #tpu.memory_space<vmem_shared>>) target_semaphore(%arg13 : memref<!tpu.dma_semaphore, #tpu.memory_space<semaphore_mem>>)
    %add3A_80 = arith.constant 192 : i32
    %add3A_81 = arith.addi %mul3A_8, %add3A_80 : i32
    %dma_start3A_82 = arith.constant 0 : i32
    %dma_start3A_83 = tpu.memref_slice %arg11[%add3A_81, %dma_start3A_82] : memref<10000x128xf32, #tpu.memory_space<vmem_shared>> -> memref<16x128xf32, #tpu.memory_space<vmem_shared>>
    %dma_start3A_84 = arith.constant 0 : i32
    %dma_start3A_85 = tpu.memref_slice %arg11[%add3A_81, %dma_start3A_84] : memref<10000x128xf32, #tpu.memory_space<vmem_shared>> -> memref<16x128xf32, #tpu.memory_space<vmem_shared>>
    tpu.enqueue_dma source(%arg10 : memref<16x128xf32, #tpu.memory_space<vmem>>) target(%dma_start3A_85 : memref<16x128xf32, #tpu.memory_space<vmem_shared>>) target_semaphore(%arg13 : memref<!tpu.dma_semaphore, #tpu.memory_space<semaphore_mem>>)
    %add3A_86 = arith.constant 208 : i32
    %add3A_87 = arith.addi %mul3A_8, %add3A_86 : i32
    %dma_start3A_88 = arith.constant 0 : i32
    %dma_start3A_89 = tpu.memref_slice %arg11[%add3A_87, %dma_start3A_88] : memref<10000x128xf32, #tpu.memory_space<vmem_shared>> -> memref<16x128xf32, #tpu.memory_space<vmem_shared>>
    %dma_start3A_90 = arith.constant 0 : i32
    %dma_start3A_91 = tpu.memref_slice %arg11[%add3A_87, %dma_start3A_90] : memref<10000x128xf32, #tpu.memory_space<vmem_shared>> -> memref<16x128xf32, #tpu.memory_space<vmem_shared>>
    tpu.enqueue_dma source(%arg10 : memref<16x128xf32, #tpu.memory_space<vmem>>) target(%dma_start3A_91 : memref<16x128xf32, #tpu.memory_space<vmem_shared>>) target_semaphore(%arg13 : memref<!tpu.dma_semaphore, #tpu.memory_space<semaphore_mem>>)
    %add3A_92 = arith.constant 224 : i32
    %add3A_93 = arith.addi %mul3A_8, %add3A_92 : i32
    %dma_start3A_94 = arith.constant 0 : i32
    %dma_start3A_95 = tpu.memref_slice %arg11[%add3A_93, %dma_start3A_94] : memref<10000x128xf32, #tpu.memory_space<vmem_shared>> -> memref<16x128xf32, #tpu.memory_space<vmem_shared>>
    %dma_start3A_96 = arith.constant 0 : i32
    %dma_start3A_97 = tpu.memref_slice %arg11[%add3A_93, %dma_start3A_96] : memref<10000x128xf32, #tpu.memory_space<vmem_shared>> -> memref<16x128xf32, #tpu.memory_space<vmem_shared>>
    tpu.enqueue_dma source(%arg10 : memref<16x128xf32, #tpu.memory_space<vmem>>) target(%dma_start3A_97 : memref<16x128xf32, #tpu.memory_space<vmem_shared>>) target_semaphore(%arg13 : memref<!tpu.dma_semaphore, #tpu.memory_space<semaphore_mem>>)
    %add3A_98 = arith.constant 240 : i32
    %add3A_99 = arith.addi %mul3A_8, %add3A_98 : i32
    %dma_start3A_100 = arith.constant 0 : i32
    %dma_start3A_101 = tpu.memref_slice %arg11[%add3A_99, %dma_start3A_100] : memref<10000x128xf32, #tpu.memory_space<vmem_shared>> -> memref<16x128xf32, #tpu.memory_space<vmem_shared>>
    %dma_start3A_102 = arith.constant 0 : i32
    %dma_start3A_103 = tpu.memref_slice %arg11[%add3A_99, %dma_start3A_102] : memref<10000x128xf32, #tpu.memory_space<vmem_shared>> -> memref<16x128xf32, #tpu.memory_space<vmem_shared>>
    tpu.enqueue_dma source(%arg10 : memref<16x128xf32, #tpu.memory_space<vmem>>) target(%dma_start3A_103 : memref<16x128xf32, #tpu.memory_space<vmem_shared>>) target_semaphore(%arg13 : memref<!tpu.dma_semaphore, #tpu.memory_space<semaphore_mem>>)
    %add3A_104 = arith.constant 256 : i32
    %add3A_105 = arith.addi %mul3A_8, %add3A_104 : i32
    %dma_start3A_106 = arith.constant 0 : i32
    %dma_start3A_107 = tpu.memref_slice %arg11[%add3A_105, %dma_start3A_106] : memref<10000x128xf32, #tpu.memory_space<vmem_shared>> -> memref<16x128xf32, #tpu.memory_space<vmem_shared>>
    %dma_start3A_108 = arith.constant 0 : i32
    %dma_start3A_109 = tpu.memref_slice %arg11[%add3A_105, %dma_start3A_108] : memref<10000x128xf32, #tpu.memory_space<vmem_shared>> -> memref<16x128xf32, #tpu.memory_space<vmem_shared>>
    tpu.enqueue_dma source(%arg10 : memref<16x128xf32, #tpu.memory_space<vmem>>) target(%dma_start3A_109 : memref<16x128xf32, #tpu.memory_space<vmem_shared>>) target_semaphore(%arg13 : memref<!tpu.dma_semaphore, #tpu.memory_space<semaphore_mem>>)
    %add3A_110 = arith.constant 272 : i32
    %add3A_111 = arith.addi %mul3A_8, %add3A_110 : i32
    %dma_start3A_112 = arith.constant 0 : i32
    %dma_start3A_113 = tpu.memref_slice %arg11[%add3A_111, %dma_start3A_112] : memref<10000x128xf32, #tpu.memory_space<vmem_shared>> -> memref<16x128xf32, #tpu.memory_space<vmem_shared>>
    %dma_start3A_114 = arith.constant 0 : i32
    %dma_start3A_115 = tpu.memref_slice %arg11[%add3A_111, %dma_start3A_114] : memref<10000x128xf32, #tpu.memory_space<vmem_shared>> -> memref<16x128xf32, #tpu.memory_space<vmem_shared>>
    tpu.enqueue_dma source(%arg10 : memref<16x128xf32, #tpu.memory_space<vmem>>) target(%dma_start3A_115 : memref<16x128xf32, #tpu.memory_space<vmem_shared>>) target_semaphore(%arg13 : memref<!tpu.dma_semaphore, #tpu.memory_space<semaphore_mem>>)
    %add3A_116 = arith.constant 288 : i32
    %add3A_117 = arith.addi %mul3A_8, %add3A_116 : i32
    %dma_start3A_118 = arith.constant 0 : i32
    %dma_start3A_119 = tpu.memref_slice %arg11[%add3A_117, %dma_start3A_118] : memref<10000x128xf32, #tpu.memory_space<vmem_shared>> -> memref<16x128xf32, #tpu.memory_space<vmem_shared>>
    %dma_start3A_120 = arith.constant 0 : i32
    %dma_start3A_121 = tpu.memref_slice %arg11[%add3A_117, %dma_start3A_120] : memref<10000x128xf32, #tpu.memory_space<vmem_shared>> -> memref<16x128xf32, #tpu.memory_space<vmem_shared>>
    tpu.enqueue_dma source(%arg10 : memref<16x128xf32, #tpu.memory_space<vmem>>) target(%dma_start3A_121 : memref<16x128xf32, #tpu.memory_space<vmem_shared>>) target_semaphore(%arg13 : memref<!tpu.dma_semaphore, #tpu.memory_space<semaphore_mem>>)
    %add3A_122 = arith.constant 304 : i32
    %add3A_123 = arith.addi %mul3A_8, %add3A_122 : i32
    %dma_start3A_124 = arith.constant 0 : i32
    %dma_start3A_125 = tpu.memref_slice %arg11[%add3A_123, %dma_start3A_124] : memref<10000x128xf32, #tpu.memory_space<vmem_shared>> -> memref<16x128xf32, #tpu.memory_space<vmem_shared>>
    %dma_start3A_126 = arith.constant 0 : i32
    %dma_start3A_127 = tpu.memref_slice %arg11[%add3A_123, %dma_start3A_126] : memref<10000x128xf32, #tpu.memory_space<vmem_shared>> -> memref<16x128xf32, #tpu.memory_space<vmem_shared>>
    tpu.enqueue_dma source(%arg10 : memref<16x128xf32, #tpu.memory_space<vmem>>) target(%dma_start3A_127 : memref<16x128xf32, #tpu.memory_space<vmem_shared>>) target_semaphore(%arg13 : memref<!tpu.dma_semaphore, #tpu.memory_space<semaphore_mem>>)
    %add3A_128 = arith.constant 320 : i32
    %add3A_129 = arith.addi %mul3A_8, %add3A_128 : i32
    %dma_start3A_130 = arith.constant 0 : i32
    %dma_start3A_131 = tpu.memref_slice %arg11[%add3A_129, %dma_start3A_130] : memref<10000x128xf32, #tpu.memory_space<vmem_shared>> -> memref<16x128xf32, #tpu.memory_space<vmem_shared>>
    %dma_start3A_132 = arith.constant 0 : i32
    %dma_start3A_133 = tpu.memref_slice %arg11[%add3A_129, %dma_start3A_132] : memref<10000x128xf32, #tpu.memory_space<vmem_shared>> -> memref<16x128xf32, #tpu.memory_space<vmem_shared>>
    tpu.enqueue_dma source(%arg10 : memref<16x128xf32, #tpu.memory_space<vmem>>) target(%dma_start3A_133 : memref<16x128xf32, #tpu.memory_space<vmem_shared>>) target_semaphore(%arg13 : memref<!tpu.dma_semaphore, #tpu.memory_space<semaphore_mem>>)
    %add3A_134 = arith.constant 336 : i32
    %add3A_135 = arith.addi %mul3A_8, %add3A_134 : i32
    %dma_start3A_136 = arith.constant 0 : i32
    %dma_start3A_137 = tpu.memref_slice %arg11[%add3A_135, %dma_start3A_136] : memref<10000x128xf32, #tpu.memory_space<vmem_shared>> -> memref<16x128xf32, #tpu.memory_space<vmem_shared>>
    %dma_start3A_138 = arith.constant 0 : i32
    %dma_start3A_139 = tpu.memref_slice %arg11[%add3A_135, %dma_start3A_138] : memref<10000x128xf32, #tpu.memory_space<vmem_shared>> -> memref<16x128xf32, #tpu.memory_space<vmem_shared>>
    tpu.enqueue_dma source(%arg10 : memref<16x128xf32, #tpu.memory_space<vmem>>) target(%dma_start3A_139 : memref<16x128xf32, #tpu.memory_space<vmem_shared>>) target_semaphore(%arg13 : memref<!tpu.dma_semaphore, #tpu.memory_space<semaphore_mem>>)
    %add3A_140 = arith.constant 352 : i32
    %add3A_141 = arith.addi %mul3A_8, %add3A_140 : i32
    %dma_start3A_142 = arith.constant 0 : i32
    %dma_start3A_143 = tpu.memref_slice %arg11[%add3A_141, %dma_start3A_142] : memref<10000x128xf32, #tpu.memory_space<vmem_shared>> -> memref<16x128xf32, #tpu.memory_space<vmem_shared>>
    %dma_start3A_144 = arith.constant 0 : i32
    %dma_start3A_145 = tpu.memref_slice %arg11[%add3A_141, %dma_start3A_144] : memref<10000x128xf32, #tpu.memory_space<vmem_shared>> -> memref<16x128xf32, #tpu.memory_space<vmem_shared>>
    tpu.enqueue_dma source(%arg10 : memref<16x128xf32, #tpu.memory_space<vmem>>) target(%dma_start3A_145 : memref<16x128xf32, #tpu.memory_space<vmem_shared>>) target_semaphore(%arg13 : memref<!tpu.dma_semaphore, #tpu.memory_space<semaphore_mem>>)
    %add3A_146 = arith.constant 368 : i32
    %add3A_147 = arith.addi %mul3A_8, %add3A_146 : i32
    %dma_start3A_148 = arith.constant 0 : i32
    %dma_start3A_149 = tpu.memref_slice %arg11[%add3A_147, %dma_start3A_148] : memref<10000x128xf32, #tpu.memory_space<vmem_shared>> -> memref<16x128xf32, #tpu.memory_space<vmem_shared>>
    %dma_start3A_150 = arith.constant 0 : i32
    %dma_start3A_151 = tpu.memref_slice %arg11[%add3A_147, %dma_start3A_150] : memref<10000x128xf32, #tpu.memory_space<vmem_shared>> -> memref<16x128xf32, #tpu.memory_space<vmem_shared>>
    tpu.enqueue_dma source(%arg10 : memref<16x128xf32, #tpu.memory_space<vmem>>) target(%dma_start3A_151 : memref<16x128xf32, #tpu.memory_space<vmem_shared>>) target_semaphore(%arg13 : memref<!tpu.dma_semaphore, #tpu.memory_space<semaphore_mem>>)
    %add3A_152 = arith.constant 384 : i32
    %add3A_153 = arith.addi %mul3A_8, %add3A_152 : i32
    %dma_start3A_154 = arith.constant 0 : i32
    %dma_start3A_155 = tpu.memref_slice %arg11[%add3A_153, %dma_start3A_154] : memref<10000x128xf32, #tpu.memory_space<vmem_shared>> -> memref<16x128xf32, #tpu.memory_space<vmem_shared>>
    %dma_start3A_156 = arith.constant 0 : i32
    %dma_start3A_157 = tpu.memref_slice %arg11[%add3A_153, %dma_start3A_156] : memref<10000x128xf32, #tpu.memory_space<vmem_shared>> -> memref<16x128xf32, #tpu.memory_space<vmem_shared>>
    tpu.enqueue_dma source(%arg10 : memref<16x128xf32, #tpu.memory_space<vmem>>) target(%dma_start3A_157 : memref<16x128xf32, #tpu.memory_space<vmem_shared>>) target_semaphore(%arg13 : memref<!tpu.dma_semaphore, #tpu.memory_space<semaphore_mem>>)
    %add3A_158 = arith.constant 400 : i32
    %add3A_159 = arith.addi %mul3A_8, %add3A_158 : i32
    %dma_start3A_160 = arith.constant 0 : i32
    %dma_start3A_161 = tpu.memref_slice %arg11[%add3A_159, %dma_start3A_160] : memref<10000x128xf32, #tpu.memory_space<vmem_shared>> -> memref<16x128xf32, #tpu.memory_space<vmem_shared>>
    %dma_start3A_162 = arith.constant 0 : i32
    %dma_start3A_163 = tpu.memref_slice %arg11[%add3A_159, %dma_start3A_162] : memref<10000x128xf32, #tpu.memory_space<vmem_shared>> -> memref<16x128xf32, #tpu.memory_space<vmem_shared>>
    tpu.enqueue_dma source(%arg10 : memref<16x128xf32, #tpu.memory_space<vmem>>) target(%dma_start3A_163 : memref<16x128xf32, #tpu.memory_space<vmem_shared>>) target_semaphore(%arg13 : memref<!tpu.dma_semaphore, #tpu.memory_space<semaphore_mem>>)
    %add3A_164 = arith.constant 416 : i32
    %add3A_165 = arith.addi %mul3A_8, %add3A_164 : i32
    %dma_start3A_166 = arith.constant 0 : i32
    %dma_start3A_167 = tpu.memref_slice %arg11[%add3A_165, %dma_start3A_166] : memref<10000x128xf32, #tpu.memory_space<vmem_shared>> -> memref<16x128xf32, #tpu.memory_space<vmem_shared>>
    %dma_start3A_168 = arith.constant 0 : i32
    %dma_start3A_169 = tpu.memref_slice %arg11[%add3A_165, %dma_start3A_168] : memref<10000x128xf32, #tpu.memory_space<vmem_shared>> -> memref<16x128xf32, #tpu.memory_space<vmem_shared>>
    tpu.enqueue_dma source(%arg10 : memref<16x128xf32, #tpu.memory_space<vmem>>) target(%dma_start3A_169 : memref<16x128xf32, #tpu.memory_space<vmem_shared>>) target_semaphore(%arg13 : memref<!tpu.dma_semaphore, #tpu.memory_space<semaphore_mem>>)
    %add3A_170 = arith.constant 432 : i32
    %add3A_171 = arith.addi %mul3A_8, %add3A_170 : i32
    %dma_start3A_172 = arith.constant 0 : i32
    %dma_start3A_173 = tpu.memref_slice %arg11[%add3A_171, %dma_start3A_172] : memref<10000x128xf32, #tpu.memory_space<vmem_shared>> -> memref<16x128xf32, #tpu.memory_space<vmem_shared>>
    %dma_start3A_174 = arith.constant 0 : i32
    %dma_start3A_175 = tpu.memref_slice %arg11[%add3A_171, %dma_start3A_174] : memref<10000x128xf32, #tpu.memory_space<vmem_shared>> -> memref<16x128xf32, #tpu.memory_space<vmem_shared>>
    tpu.enqueue_dma source(%arg10 : memref<16x128xf32, #tpu.memory_space<vmem>>) target(%dma_start3A_175 : memref<16x128xf32, #tpu.memory_space<vmem_shared>>) target_semaphore(%arg13 : memref<!tpu.dma_semaphore, #tpu.memory_space<semaphore_mem>>)
    %add3A_176 = arith.constant 448 : i32
    %add3A_177 = arith.addi %mul3A_8, %add3A_176 : i32
    %dma_start3A_178 = arith.constant 0 : i32
    %dma_start3A_179 = tpu.memref_slice %arg11[%add3A_177, %dma_start3A_178] : memref<10000x128xf32, #tpu.memory_space<vmem_shared>> -> memref<16x128xf32, #tpu.memory_space<vmem_shared>>
    %dma_start3A_180 = arith.constant 0 : i32
    %dma_start3A_181 = tpu.memref_slice %arg11[%add3A_177, %dma_start3A_180] : memref<10000x128xf32, #tpu.memory_space<vmem_shared>> -> memref<16x128xf32, #tpu.memory_space<vmem_shared>>
    tpu.enqueue_dma source(%arg10 : memref<16x128xf32, #tpu.memory_space<vmem>>) target(%dma_start3A_181 : memref<16x128xf32, #tpu.memory_space<vmem_shared>>) target_semaphore(%arg13 : memref<!tpu.dma_semaphore, #tpu.memory_space<semaphore_mem>>)
    %add3A_182 = arith.constant 464 : i32
    %add3A_183 = arith.addi %mul3A_8, %add3A_182 : i32
    %dma_start3A_184 = arith.constant 0 : i32
    %dma_start3A_185 = tpu.memref_slice %arg11[%add3A_183, %dma_start3A_184] : memref<10000x128xf32, #tpu.memory_space<vmem_shared>> -> memref<16x128xf32, #tpu.memory_space<vmem_shared>>
    %dma_start3A_186 = arith.constant 0 : i32
    %dma_start3A_187 = tpu.memref_slice %arg11[%add3A_183, %dma_start3A_186] : memref<10000x128xf32, #tpu.memory_space<vmem_shared>> -> memref<16x128xf32, #tpu.memory_space<vmem_shared>>
    tpu.enqueue_dma source(%arg10 : memref<16x128xf32, #tpu.memory_space<vmem>>) target(%dma_start3A_187 : memref<16x128xf32, #tpu.memory_space<vmem_shared>>) target_semaphore(%arg13 : memref<!tpu.dma_semaphore, #tpu.memory_space<semaphore_mem>>)
    %add3A_188 = arith.constant 480 : i32
    %add3A_189 = arith.addi %mul3A_8, %add3A_188 : i32
    %dma_start3A_190 = arith.constant 0 : i32
    %dma_start3A_191 = tpu.memref_slice %arg11[%add3A_189, %dma_start3A_190] : memref<10000x128xf32, #tpu.memory_space<vmem_shared>> -> memref<16x128xf32, #tpu.memory_space<vmem_shared>>
    %dma_start3A_192 = arith.constant 0 : i32
    %dma_start3A_193 = tpu.memref_slice %arg11[%add3A_189, %dma_start3A_192] : memref<10000x128xf32, #tpu.memory_space<vmem_shared>> -> memref<16x128xf32, #tpu.memory_space<vmem_shared>>
    tpu.enqueue_dma source(%arg10 : memref<16x128xf32, #tpu.memory_space<vmem>>) target(%dma_start3A_193 : memref<16x128xf32, #tpu.memory_space<vmem_shared>>) target_semaphore(%arg13 : memref<!tpu.dma_semaphore, #tpu.memory_space<semaphore_mem>>)
    %add3A_194 = arith.constant 496 : i32
    %add3A_195 = arith.addi %mul3A_8, %add3A_194 : i32
    %dma_start3A_196 = arith.constant 0 : i32
    %dma_start3A_197 = tpu.memref_slice %arg11[%add3A_195, %dma_start3A_196] : memref<10000x128xf32, #tpu.memory_space<vmem_shared>> -> memref<16x128xf32, #tpu.memory_space<vmem_shared>>
    %dma_start3A_198 = arith.constant 0 : i32
    %dma_start3A_199 = tpu.memref_slice %arg11[%add3A_195, %dma_start3A_198] : memref<10000x128xf32, #tpu.memory_space<vmem_shared>> -> memref<16x128xf32, #tpu.memory_space<vmem_shared>>
    tpu.enqueue_dma source(%arg10 : memref<16x128xf32, #tpu.memory_space<vmem>>) target(%dma_start3A_199 : memref<16x128xf32, #tpu.memory_space<vmem_shared>>) target_semaphore(%arg13 : memref<!tpu.dma_semaphore, #tpu.memory_space<semaphore_mem>>)
    %add3A_200 = arith.constant 512 : i32
    %add3A_201 = arith.addi %mul3A_8, %add3A_200 : i32
    %dma_start3A_202 = arith.constant 0 : i32
    %dma_start3A_203 = tpu.memref_slice %arg11[%add3A_201, %dma_start3A_202] : memref<10000x128xf32, #tpu.memory_space<vmem_shared>> -> memref<16x128xf32, #tpu.memory_space<vmem_shared>>
    %dma_start3A_204 = arith.constant 0 : i32
    %dma_start3A_205 = tpu.memref_slice %arg11[%add3A_201, %dma_start3A_204] : memref<10000x128xf32, #tpu.memory_space<vmem_shared>> -> memref<16x128xf32, #tpu.memory_space<vmem_shared>>
    tpu.enqueue_dma source(%arg10 : memref<16x128xf32, #tpu.memory_space<vmem>>) target(%dma_start3A_205 : memref<16x128xf32, #tpu.memory_space<vmem_shared>>) target_semaphore(%arg13 : memref<!tpu.dma_semaphore, #tpu.memory_space<semaphore_mem>>)
    %add3A_206 = arith.constant 528 : i32
    %add3A_207 = arith.addi %mul3A_8, %add3A_206 : i32
    %dma_start3A_208 = arith.constant 0 : i32
    %dma_start3A_209 = tpu.memref_slice %arg11[%add3A_207, %dma_start3A_208] : memref<10000x128xf32, #tpu.memory_space<vmem_shared>> -> memref<16x128xf32, #tpu.memory_space<vmem_shared>>
    %dma_start3A_210 = arith.constant 0 : i32
    %dma_start3A_211 = tpu.memref_slice %arg11[%add3A_207, %dma_start3A_210] : memref<10000x128xf32, #tpu.memory_space<vmem_shared>> -> memref<16x128xf32, #tpu.memory_space<vmem_shared>>
    tpu.enqueue_dma source(%arg10 : memref<16x128xf32, #tpu.memory_space<vmem>>) target(%dma_start3A_211 : memref<16x128xf32, #tpu.memory_space<vmem_shared>>) target_semaphore(%arg13 : memref<!tpu.dma_semaphore, #tpu.memory_space<semaphore_mem>>)
    %add3A_212 = arith.constant 544 : i32
    %add3A_213 = arith.addi %mul3A_8, %add3A_212 : i32
    %dma_start3A_214 = arith.constant 0 : i32
    %dma_start3A_215 = tpu.memref_slice %arg11[%add3A_213, %dma_start3A_214] : memref<10000x128xf32, #tpu.memory_space<vmem_shared>> -> memref<16x128xf32, #tpu.memory_space<vmem_shared>>
    %dma_start3A_216 = arith.constant 0 : i32
    %dma_start3A_217 = tpu.memref_slice %arg11[%add3A_213, %dma_start3A_216] : memref<10000x128xf32, #tpu.memory_space<vmem_shared>> -> memref<16x128xf32, #tpu.memory_space<vmem_shared>>
    tpu.enqueue_dma source(%arg10 : memref<16x128xf32, #tpu.memory_space<vmem>>) target(%dma_start3A_217 : memref<16x128xf32, #tpu.memory_space<vmem_shared>>) target_semaphore(%arg13 : memref<!tpu.dma_semaphore, #tpu.memory_space<semaphore_mem>>)
    %add3A_218 = arith.constant 560 : i32
    %add3A_219 = arith.addi %mul3A_8, %add3A_218 : i32
    %dma_start3A_220 = arith.constant 0 : i32
    %dma_start3A_221 = tpu.memref_slice %arg11[%add3A_219, %dma_start3A_220] : memref<10000x128xf32, #tpu.memory_space<vmem_shared>> -> memref<16x128xf32, #tpu.memory_space<vmem_shared>>
    %dma_start3A_222 = arith.constant 0 : i32
    %dma_start3A_223 = tpu.memref_slice %arg11[%add3A_219, %dma_start3A_222] : memref<10000x128xf32, #tpu.memory_space<vmem_shared>> -> memref<16x128xf32, #tpu.memory_space<vmem_shared>>
    tpu.enqueue_dma source(%arg10 : memref<16x128xf32, #tpu.memory_space<vmem>>) target(%dma_start3A_223 : memref<16x128xf32, #tpu.memory_space<vmem_shared>>) target_semaphore(%arg13 : memref<!tpu.dma_semaphore, #tpu.memory_space<semaphore_mem>>)
    %add3A_224 = arith.constant 576 : i32
    %add3A_225 = arith.addi %mul3A_8, %add3A_224 : i32
    %dma_start3A_226 = arith.constant 0 : i32
    %dma_start3A_227 = tpu.memref_slice %arg11[%add3A_225, %dma_start3A_226] : memref<10000x128xf32, #tpu.memory_space<vmem_shared>> -> memref<16x128xf32, #tpu.memory_space<vmem_shared>>
    %dma_start3A_228 = arith.constant 0 : i32
    %dma_start3A_229 = tpu.memref_slice %arg11[%add3A_225, %dma_start3A_228] : memref<10000x128xf32, #tpu.memory_space<vmem_shared>> -> memref<16x128xf32, #tpu.memory_space<vmem_shared>>
    tpu.enqueue_dma source(%arg10 : memref<16x128xf32, #tpu.memory_space<vmem>>) target(%dma_start3A_229 : memref<16x128xf32, #tpu.memory_space<vmem_shared>>) target_semaphore(%arg13 : memref<!tpu.dma_semaphore, #tpu.memory_space<semaphore_mem>>)
    %add3A_230 = arith.constant 592 : i32
    %add3A_231 = arith.addi %mul3A_8, %add3A_230 : i32
    %dma_start3A_232 = arith.constant 0 : i32
    %dma_start3A_233 = tpu.memref_slice %arg11[%add3A_231, %dma_start3A_232] : memref<10000x128xf32, #tpu.memory_space<vmem_shared>> -> memref<16x128xf32, #tpu.memory_space<vmem_shared>>
    %dma_start3A_234 = arith.constant 0 : i32
    %dma_start3A_235 = tpu.memref_slice %arg11[%add3A_231, %dma_start3A_234] : memref<10000x128xf32, #tpu.memory_space<vmem_shared>> -> memref<16x128xf32, #tpu.memory_space<vmem_shared>>
    tpu.enqueue_dma source(%arg10 : memref<16x128xf32, #tpu.memory_space<vmem>>) target(%dma_start3A_235 : memref<16x128xf32, #tpu.memory_space<vmem_shared>>) target_semaphore(%arg13 : memref<!tpu.dma_semaphore, #tpu.memory_space<semaphore_mem>>)
    %add3A_236 = arith.constant 608 : i32
    %add3A_237 = arith.addi %mul3A_8, %add3A_236 : i32
    %dma_start3A_238 = arith.constant 0 : i32
    %dma_start3A_239 = tpu.memref_slice %arg11[%add3A_237, %dma_start3A_238] : memref<10000x128xf32, #tpu.memory_space<vmem_shared>> -> memref<16x128xf32, #tpu.memory_space<vmem_shared>>
    %dma_start3A_240 = arith.constant 0 : i32
    %dma_start3A_241 = tpu.memref_slice %arg11[%add3A_237, %dma_start3A_240] : memref<10000x128xf32, #tpu.memory_space<vmem_shared>> -> memref<16x128xf32, #tpu.memory_space<vmem_shared>>
    tpu.enqueue_dma source(%arg10 : memref<16x128xf32, #tpu.memory_space<vmem>>) target(%dma_start3A_241 : memref<16x128xf32, #tpu.memory_space<vmem_shared>>) target_semaphore(%arg13 : memref<!tpu.dma_semaphore, #tpu.memory_space<semaphore_mem>>)
    %eq3A = arith.constant 15 : i32
    %eq3A_242 = arith.cmpi eq, %arg1, %eq3A : i32
    %convert_element_type3A = arith.extui %eq3A_242 : i1 to i32
    %cond3A = arith.constant 0 : i32
    %cond3A_243 = arith.cmpi ne, %convert_element_type3A, %cond3A : i32
    scf.if %cond3A_243 {
      %dma_start3A_528 = arith.constant 0 : i32
      %dma_start3A_529 = arith.constant 0 : i32
      %dma_start3A_530 = tpu.memref_slice %arg10[%dma_start3A_528, %dma_start3A_529] : memref<16x128xf32, #tpu.memory_space<vmem>> -> memref<16x128xf32, #tpu.memory_space<vmem>>
      %dma_start3A_531 = arith.constant 9984 : i32
      %dma_start3A_532 = arith.constant 0 : i32
      %dma_start3A_533 = tpu.memref_slice %arg11[%dma_start3A_531, %dma_start3A_532] : memref<10000x128xf32, #tpu.memory_space<vmem_shared>> -> memref<16x128xf32, #tpu.memory_space<vmem_shared>>
      %dma_start3A_534 = arith.constant 9984 : i32
      %dma_start3A_535 = arith.constant 0 : i32
      %dma_start3A_536 = tpu.memref_slice %arg11[%dma_start3A_534, %dma_start3A_535] : memref<10000x128xf32, #tpu.memory_space<vmem_shared>> -> memref<16x128xf32, #tpu.memory_space<vmem_shared>>
      %dma_start3A_537 = arith.constant 0 : i32
      %dma_start3A_538 = arith.constant 0 : i32
      %dma_start3A_539 = tpu.memref_slice %arg10[%dma_start3A_537, %dma_start3A_538] : memref<16x128xf32, #tpu.memory_space<vmem>> -> memref<16x128xf32, #tpu.memory_space<vmem>>
      tpu.enqueue_dma source(%dma_start3A_539 : memref<16x128xf32, #tpu.memory_space<vmem>>) target(%dma_start3A_536 : memref<16x128xf32, #tpu.memory_space<vmem_shared>>) target_semaphore(%arg13 : memref<!tpu.dma_semaphore, #tpu.memory_space<semaphore_mem>>)
    } else {
    }
    "tpu.region"() ({
      %run_scoped3A = tpu.sem_alloc : memref<!tpu.dma_semaphore, #tpu.memory_space<semaphore_mem>>
      %dma_start3A_528 = arith.constant 0 : i32
      %dma_start3A_529 = arith.constant 0 : i32
      %dma_start3A_530 = tpu.memref_slice %arg3[%add3A, %dma_start3A_528, %dma_start3A_529] : memref<32x80x125xi32, #tpu.memory_space<hbm>> -> memref<1x80x125xi32, #tpu.memory_space<hbm>>
      %dma_start3A_531 = tpu.memref_squeeze %dma_start3A_530 : memref<1x80x125xi32, #tpu.memory_space<hbm>> -> memref<80x125xi32, #tpu.memory_space<hbm>>
      %dma_start3A_532 = arith.constant 0 : i32
      %dma_start3A_533 = arith.constant 0 : i32
      %dma_start3A_534 = tpu.memref_slice %dma_start3A_531[%dma_start3A_532, %dma_start3A_533] : memref<80x125xi32, #tpu.memory_space<hbm>> -> memref<40x125xi32, #tpu.memory_space<hbm>>
      %dma_start3A_535 = arith.constant 0 : i32
      %dma_start3A_536 = arith.constant 0 : i32
      %dma_start3A_537 = tpu.memref_slice %arg3[%add3A, %dma_start3A_535, %dma_start3A_536] : memref<32x80x125xi32, #tpu.memory_space<hbm>> -> memref<1x80x125xi32, #tpu.memory_space<hbm>>
      %dma_start3A_538 = tpu.memref_squeeze %dma_start3A_537 : memref<1x80x125xi32, #tpu.memory_space<hbm>> -> memref<80x125xi32, #tpu.memory_space<hbm>>
      %dma_start3A_539 = arith.constant 0 : i32
      %dma_start3A_540 = arith.constant 0 : i32
      %dma_start3A_541 = tpu.memref_slice %dma_start3A_538[%dma_start3A_539, %dma_start3A_540] : memref<80x125xi32, #tpu.memory_space<hbm>> -> memref<40x125xi32, #tpu.memory_space<hbm>>
      tpu.enqueue_dma source(%dma_start3A_541 : memref<40x125xi32, #tpu.memory_space<hbm>>) target(%arg6 : memref<40x125xi32, #tpu.memory_space<vmem>>) target_semaphore(%run_scoped3A : memref<!tpu.dma_semaphore, #tpu.memory_space<semaphore_mem>>)
      %dma_wait3A_542 = arith.constant 0 : i32
      %dma_wait3A_543 = arith.constant 0 : i32
      %dma_wait3A_544 = tpu.memref_slice %arg3[%add3A, %dma_wait3A_542, %dma_wait3A_543] : memref<32x80x125xi32, #tpu.memory_space<hbm>> -> memref<1x80x125xi32, #tpu.memory_space<hbm>>
      %dma_wait3A_545 = tpu.memref_squeeze %dma_wait3A_544 : memref<1x80x125xi32, #tpu.memory_space<hbm>> -> memref<80x125xi32, #tpu.memory_space<hbm>>
      %dma_wait3A_546 = arith.constant 0 : i32
      %dma_wait3A_547 = arith.constant 0 : i32
      %dma_wait3A_548 = tpu.memref_slice %dma_wait3A_545[%dma_wait3A_546, %dma_wait3A_547] : memref<80x125xi32, #tpu.memory_space<hbm>> -> memref<40x125xi32, #tpu.memory_space<hbm>>
      %dma_wait3A_549 = arith.constant 0 : i32
      %dma_wait3A_550 = arith.constant 0 : i32
      %dma_wait3A_551 = tpu.memref_slice %arg3[%add3A, %dma_wait3A_549, %dma_wait3A_550] : memref<32x80x125xi32, #tpu.memory_space<hbm>> -> memref<1x80x125xi32, #tpu.memory_space<hbm>>
      %dma_wait3A_552 = tpu.memref_squeeze %dma_wait3A_551 : memref<1x80x125xi32, #tpu.memory_space<hbm>> -> memref<80x125xi32, #tpu.memory_space<hbm>>
      %dma_wait3A_553 = arith.constant 0 : i32
      %dma_wait3A_554 = arith.constant 0 : i32
      %dma_wait3A_555 = tpu.memref_slice %dma_wait3A_552[%dma_wait3A_553, %dma_wait3A_554] : memref<80x125xi32, #tpu.memory_space<hbm>> -> memref<40x125xi32, #tpu.memory_space<hbm>>
      tpu.wait_dma2 semaphore(%run_scoped3A : memref<!tpu.dma_semaphore, #tpu.memory_space<semaphore_mem>>) src(%dma_wait3A_555 : memref<40x125xi32, #tpu.memory_space<hbm>>) dst(%arg6 : memref<40x125xi32, #tpu.memory_space<vmem>>)
      tpu.yield
    }) : () -> ()
    "tpu.region"() ({
      %run_scoped3A = tpu.sem_alloc : memref<!tpu.dma_semaphore, #tpu.memory_space<semaphore_mem>>
      %dma_start3A_528 = arith.constant 0 : i32
      %dma_start3A_529 = arith.constant 0 : i32
      %dma_start3A_530 = tpu.memref_slice %arg4[%add3A, %dma_start3A_528, %dma_start3A_529] : memref<32x80x125xi32, #tpu.memory_space<hbm>> -> memref<1x80x125xi32, #tpu.memory_space<hbm>>
      %dma_start3A_531 = tpu.memref_squeeze %dma_start3A_530 : memref<1x80x125xi32, #tpu.memory_space<hbm>> -> memref<80x125xi32, #tpu.memory_space<hbm>>
      %dma_start3A_532 = arith.constant 0 : i32
      %dma_start3A_533 = arith.constant 0 : i32
      %dma_start3A_534 = tpu.memref_slice %dma_start3A_531[%dma_start3A_532, %dma_start3A_533] : memref<80x125xi32, #tpu.memory_space<hbm>> -> memref<40x125xi32, #tpu.memory_space<hbm>>
      %dma_start3A_535 = arith.constant 0 : i32
      %dma_start3A_536 = arith.constant 0 : i32
      %dma_start3A_537 = tpu.memref_slice %arg4[%add3A, %dma_start3A_535, %dma_start3A_536] : memref<32x80x125xi32, #tpu.memory_space<hbm>> -> memref<1x80x125xi32, #tpu.memory_space<hbm>>
      %dma_start3A_538 = tpu.memref_squeeze %dma_start3A_537 : memref<1x80x125xi32, #tpu.memory_space<hbm>> -> memref<80x125xi32, #tpu.memory_space<hbm>>
      %dma_start3A_539 = arith.constant 0 : i32
      %dma_start3A_540 = arith.constant 0 : i32
      %dma_start3A_541 = tpu.memref_slice %dma_start3A_538[%dma_start3A_539, %dma_start3A_540] : memref<80x125xi32, #tpu.memory_space<hbm>> -> memref<40x125xi32, #tpu.memory_space<hbm>>
      tpu.enqueue_dma source(%dma_start3A_541 : memref<40x125xi32, #tpu.memory_space<hbm>>) target(%arg7 : memref<40x125xi32, #tpu.memory_space<vmem>>) target_semaphore(%run_scoped3A : memref<!tpu.dma_semaphore, #tpu.memory_space<semaphore_mem>>)
      %dma_wait3A_542 = arith.constant 0 : i32
      %dma_wait3A_543 = arith.constant 0 : i32
      %dma_wait3A_544 = tpu.memref_slice %arg4[%add3A, %dma_wait3A_542, %dma_wait3A_543] : memref<32x80x125xi32, #tpu.memory_space<hbm>> -> memref<1x80x125xi32, #tpu.memory_space<hbm>>
      %dma_wait3A_545 = tpu.memref_squeeze %dma_wait3A_544 : memref<1x80x125xi32, #tpu.memory_space<hbm>> -> memref<80x125xi32, #tpu.memory_space<hbm>>
      %dma_wait3A_546 = arith.constant 0 : i32
      %dma_wait3A_547 = arith.constant 0 : i32
      %dma_wait3A_548 = tpu.memref_slice %dma_wait3A_545[%dma_wait3A_546, %dma_wait3A_547] : memref<80x125xi32, #tpu.memory_space<hbm>> -> memref<40x125xi32, #tpu.memory_space<hbm>>
      %dma_wait3A_549 = arith.constant 0 : i32
      %dma_wait3A_550 = arith.constant 0 : i32
      %dma_wait3A_551 = tpu.memref_slice %arg4[%add3A, %dma_wait3A_549, %dma_wait3A_550] : memref<32x80x125xi32, #tpu.memory_space<hbm>> -> memref<1x80x125xi32, #tpu.memory_space<hbm>>
      %dma_wait3A_552 = tpu.memref_squeeze %dma_wait3A_551 : memref<1x80x125xi32, #tpu.memory_space<hbm>> -> memref<80x125xi32, #tpu.memory_space<hbm>>
      %dma_wait3A_553 = arith.constant 0 : i32
      %dma_wait3A_554 = arith.constant 0 : i32
      %dma_wait3A_555 = tpu.memref_slice %dma_wait3A_552[%dma_wait3A_553, %dma_wait3A_554] : memref<80x125xi32, #tpu.memory_space<hbm>> -> memref<40x125xi32, #tpu.memory_space<hbm>>
      tpu.wait_dma2 semaphore(%run_scoped3A : memref<!tpu.dma_semaphore, #tpu.memory_space<semaphore_mem>>) src(%dma_wait3A_555 : memref<40x125xi32, #tpu.memory_space<hbm>>) dst(%arg7 : memref<40x125xi32, #tpu.memory_space<vmem>>)
      tpu.yield
    }) : () -> ()
    %dma_start3A_244 = arith.constant 0 : i32
    %dma_start3A_245 = arith.constant 0 : i32
    %dma_start3A_246 = tpu.memref_slice %arg6[%dma_start3A_244, %dma_start3A_245] : memref<40x125xi32, #tpu.memory_space<vmem>> -> memref<1x125xi32, #tpu.memory_space<vmem>>
    %dma_start3A_247 = tpu.memref_squeeze %dma_start3A_246 : memref<1x125xi32, #tpu.memory_space<vmem>> -> memref<125xi32, #tpu.memory_space<vmem>>
    %dma_start3A_248 = arith.constant 0 : i32
    %dma_start3A_249 = arith.constant 0 : i32
    %dma_start3A_250 = tpu.memref_slice %arg2[%dma_start3A_248, %dma_start3A_249] : memref<10000x128xf32, #tpu.memory_space<hbm>> -> memref<10000x128xf32, #tpu.memory_space<hbm>>
    tpu.enqueue_indirect_dma source(%dma_start3A_250 : memref<10000x128xf32, #tpu.memory_space<hbm>>) target(%arg8 : memref<125x128xf32, #tpu.memory_space<vmem>>) offsets(%dma_start3A_247 : memref<125xi32, #tpu.memory_space<vmem>>) semaphore(%arg12 : memref<!tpu.dma_semaphore, #tpu.memory_space<semaphore_mem>>)
    %add3A_251 = arith.constant 0 : i32
    %add3A_252 = arith.addi %mul3A_8, %add3A_251 : i32
    %dma_wait3A = arith.constant 0 : i32
    %dma_wait3A_253 = tpu.memref_slice %arg11[%add3A_252, %dma_wait3A] : memref<10000x128xf32, #tpu.memory_space<vmem_shared>> -> memref<16x128xf32, #tpu.memory_space<vmem_shared>>
    %dma_wait3A_254 = arith.constant 0 : i32
    %dma_wait3A_255 = tpu.memref_slice %arg11[%add3A_252, %dma_wait3A_254] : memref<10000x128xf32, #tpu.memory_space<vmem_shared>> -> memref<16x128xf32, #tpu.memory_space<vmem_shared>>
    tpu.wait_dma2 semaphore(%arg13 : memref<!tpu.dma_semaphore, #tpu.memory_space<semaphore_mem>>) src(%arg10 : memref<16x128xf32, #tpu.memory_space<vmem>>) dst(%dma_wait3A_255 : memref<16x128xf32, #tpu.memory_space<vmem_shared>>)
    %add3A_256 = arith.constant 16 : i32
    %add3A_257 = arith.addi %mul3A_8, %add3A_256 : i32
    %dma_wait3A_258 = arith.constant 0 : i32
    %dma_wait3A_259 = tpu.memref_slice %arg11[%add3A_257, %dma_wait3A_258] : memref<10000x128xf32, #tpu.memory_space<vmem_shared>> -> memref<16x128xf32, #tpu.memory_space<vmem_shared>>
    %dma_wait3A_260 = arith.constant 0 : i32
    %dma_wait3A_261 = tpu.memref_slice %arg11[%add3A_257, %dma_wait3A_260] : memref<10000x128xf32, #tpu.memory_space<vmem_shared>> -> memref<16x128xf32, #tpu.memory_space<vmem_shared>>
    tpu.wait_dma2 semaphore(%arg13 : memref<!tpu.dma_semaphore, #tpu.memory_space<semaphore_mem>>) src(%arg10 : memref<16x128xf32, #tpu.memory_space<vmem>>) dst(%dma_wait3A_261 : memref<16x128xf32, #tpu.memory_space<vmem_shared>>)
    %add3A_262 = arith.constant 32 : i32
    %add3A_263 = arith.addi %mul3A_8, %add3A_262 : i32
    %dma_wait3A_264 = arith.constant 0 : i32
    %dma_wait3A_265 = tpu.memref_slice %arg11[%add3A_263, %dma_wait3A_264] : memref<10000x128xf32, #tpu.memory_space<vmem_shared>> -> memref<16x128xf32, #tpu.memory_space<vmem_shared>>
    %dma_wait3A_266 = arith.constant 0 : i32
    %dma_wait3A_267 = tpu.memref_slice %arg11[%add3A_263, %dma_wait3A_266] : memref<10000x128xf32, #tpu.memory_space<vmem_shared>> -> memref<16x128xf32, #tpu.memory_space<vmem_shared>>
    tpu.wait_dma2 semaphore(%arg13 : memref<!tpu.dma_semaphore, #tpu.memory_space<semaphore_mem>>) src(%arg10 : memref<16x128xf32, #tpu.memory_space<vmem>>) dst(%dma_wait3A_267 : memref<16x128xf32, #tpu.memory_space<vmem_shared>>)
    %add3A_268 = arith.constant 48 : i32
    %add3A_269 = arith.addi %mul3A_8, %add3A_268 : i32
    %dma_wait3A_270 = arith.constant 0 : i32
    %dma_wait3A_271 = tpu.memref_slice %arg11[%add3A_269, %dma_wait3A_270] : memref<10000x128xf32, #tpu.memory_space<vmem_shared>> -> memref<16x128xf32, #tpu.memory_space<vmem_shared>>
    %dma_wait3A_272 = arith.constant 0 : i32
    %dma_wait3A_273 = tpu.memref_slice %arg11[%add3A_269, %dma_wait3A_272] : memref<10000x128xf32, #tpu.memory_space<vmem_shared>> -> memref<16x128xf32, #tpu.memory_space<vmem_shared>>
    tpu.wait_dma2 semaphore(%arg13 : memref<!tpu.dma_semaphore, #tpu.memory_space<semaphore_mem>>) src(%arg10 : memref<16x128xf32, #tpu.memory_space<vmem>>) dst(%dma_wait3A_273 : memref<16x128xf32, #tpu.memory_space<vmem_shared>>)
    %add3A_274 = arith.constant 64 : i32
    %add3A_275 = arith.addi %mul3A_8, %add3A_274 : i32
    %dma_wait3A_276 = arith.constant 0 : i32
    %dma_wait3A_277 = tpu.memref_slice %arg11[%add3A_275, %dma_wait3A_276] : memref<10000x128xf32, #tpu.memory_space<vmem_shared>> -> memref<16x128xf32, #tpu.memory_space<vmem_shared>>
    %dma_wait3A_278 = arith.constant 0 : i32
    %dma_wait3A_279 = tpu.memref_slice %arg11[%add3A_275, %dma_wait3A_278] : memref<10000x128xf32, #tpu.memory_space<vmem_shared>> -> memref<16x128xf32, #tpu.memory_space<vmem_shared>>
    tpu.wait_dma2 semaphore(%arg13 : memref<!tpu.dma_semaphore, #tpu.memory_space<semaphore_mem>>) src(%arg10 : memref<16x128xf32, #tpu.memory_space<vmem>>) dst(%dma_wait3A_279 : memref<16x128xf32, #tpu.memory_space<vmem_shared>>)
    %add3A_280 = arith.constant 80 : i32
    %add3A_281 = arith.addi %mul3A_8, %add3A_280 : i32
    %dma_wait3A_282 = arith.constant 0 : i32
    %dma_wait3A_283 = tpu.memref_slice %arg11[%add3A_281, %dma_wait3A_282] : memref<10000x128xf32, #tpu.memory_space<vmem_shared>> -> memref<16x128xf32, #tpu.memory_space<vmem_shared>>
    %dma_wait3A_284 = arith.constant 0 : i32
    %dma_wait3A_285 = tpu.memref_slice %arg11[%add3A_281, %dma_wait3A_284] : memref<10000x128xf32, #tpu.memory_space<vmem_shared>> -> memref<16x128xf32, #tpu.memory_space<vmem_shared>>
    tpu.wait_dma2 semaphore(%arg13 : memref<!tpu.dma_semaphore, #tpu.memory_space<semaphore_mem>>) src(%arg10 : memref<16x128xf32, #tpu.memory_space<vmem>>) dst(%dma_wait3A_285 : memref<16x128xf32, #tpu.memory_space<vmem_shared>>)
    %add3A_286 = arith.constant 96 : i32
    %add3A_287 = arith.addi %mul3A_8, %add3A_286 : i32
    %dma_wait3A_288 = arith.constant 0 : i32
    %dma_wait3A_289 = tpu.memref_slice %arg11[%add3A_287, %dma_wait3A_288] : memref<10000x128xf32, #tpu.memory_space<vmem_shared>> -> memref<16x128xf32, #tpu.memory_space<vmem_shared>>
    %dma_wait3A_290 = arith.constant 0 : i32
    %dma_wait3A_291 = tpu.memref_slice %arg11[%add3A_287, %dma_wait3A_290] : memref<10000x128xf32, #tpu.memory_space<vmem_shared>> -> memref<16x128xf32, #tpu.memory_space<vmem_shared>>
    tpu.wait_dma2 semaphore(%arg13 : memref<!tpu.dma_semaphore, #tpu.memory_space<semaphore_mem>>) src(%arg10 : memref<16x128xf32, #tpu.memory_space<vmem>>) dst(%dma_wait3A_291 : memref<16x128xf32, #tpu.memory_space<vmem_shared>>)
    %add3A_292 = arith.constant 112 : i32
    %add3A_293 = arith.addi %mul3A_8, %add3A_292 : i32
    %dma_wait3A_294 = arith.constant 0 : i32
    %dma_wait3A_295 = tpu.memref_slice %arg11[%add3A_293, %dma_wait3A_294] : memref<10000x128xf32, #tpu.memory_space<vmem_shared>> -> memref<16x128xf32, #tpu.memory_space<vmem_shared>>
    %dma_wait3A_296 = arith.constant 0 : i32
    %dma_wait3A_297 = tpu.memref_slice %arg11[%add3A_293, %dma_wait3A_296] : memref<10000x128xf32, #tpu.memory_space<vmem_shared>> -> memref<16x128xf32, #tpu.memory_space<vmem_shared>>
    tpu.wait_dma2 semaphore(%arg13 : memref<!tpu.dma_semaphore, #tpu.memory_space<semaphore_mem>>) src(%arg10 : memref<16x128xf32, #tpu.memory_space<vmem>>) dst(%dma_wait3A_297 : memref<16x128xf32, #tpu.memory_space<vmem_shared>>)
    %add3A_298 = arith.constant 128 : i32
    %add3A_299 = arith.addi %mul3A_8, %add3A_298 : i32
    %dma_wait3A_300 = arith.constant 0 : i32
    %dma_wait3A_301 = tpu.memref_slice %arg11[%add3A_299, %dma_wait3A_300] : memref<10000x128xf32, #tpu.memory_space<vmem_shared>> -> memref<16x128xf32, #tpu.memory_space<vmem_shared>>
    %dma_wait3A_302 = arith.constant 0 : i32
    %dma_wait3A_303 = tpu.memref_slice %arg11[%add3A_299, %dma_wait3A_302] : memref<10000x128xf32, #tpu.memory_space<vmem_shared>> -> memref<16x128xf32, #tpu.memory_space<vmem_shared>>
    tpu.wait_dma2 semaphore(%arg13 : memref<!tpu.dma_semaphore, #tpu.memory_space<semaphore_mem>>) src(%arg10 : memref<16x128xf32, #tpu.memory_space<vmem>>) dst(%dma_wait3A_303 : memref<16x128xf32, #tpu.memory_space<vmem_shared>>)
    %add3A_304 = arith.constant 144 : i32
    %add3A_305 = arith.addi %mul3A_8, %add3A_304 : i32
    %dma_wait3A_306 = arith.constant 0 : i32
    %dma_wait3A_307 = tpu.memref_slice %arg11[%add3A_305, %dma_wait3A_306] : memref<10000x128xf32, #tpu.memory_space<vmem_shared>> -> memref<16x128xf32, #tpu.memory_space<vmem_shared>>
    %dma_wait3A_308 = arith.constant 0 : i32
    %dma_wait3A_309 = tpu.memref_slice %arg11[%add3A_305, %dma_wait3A_308] : memref<10000x128xf32, #tpu.memory_space<vmem_shared>> -> memref<16x128xf32, #tpu.memory_space<vmem_shared>>
    tpu.wait_dma2 semaphore(%arg13 : memref<!tpu.dma_semaphore, #tpu.memory_space<semaphore_mem>>) src(%arg10 : memref<16x128xf32, #tpu.memory_space<vmem>>) dst(%dma_wait3A_309 : memref<16x128xf32, #tpu.memory_space<vmem_shared>>)
    %add3A_310 = arith.constant 160 : i32
    %add3A_311 = arith.addi %mul3A_8, %add3A_310 : i32
    %dma_wait3A_312 = arith.constant 0 : i32
    %dma_wait3A_313 = tpu.memref_slice %arg11[%add3A_311, %dma_wait3A_312] : memref<10000x128xf32, #tpu.memory_space<vmem_shared>> -> memref<16x128xf32, #tpu.memory_space<vmem_shared>>
    %dma_wait3A_314 = arith.constant 0 : i32
    %dma_wait3A_315 = tpu.memref_slice %arg11[%add3A_311, %dma_wait3A_314] : memref<10000x128xf32, #tpu.memory_space<vmem_shared>> -> memref<16x128xf32, #tpu.memory_space<vmem_shared>>
    tpu.wait_dma2 semaphore(%arg13 : memref<!tpu.dma_semaphore, #tpu.memory_space<semaphore_mem>>) src(%arg10 : memref<16x128xf32, #tpu.memory_space<vmem>>) dst(%dma_wait3A_315 : memref<16x128xf32, #tpu.memory_space<vmem_shared>>)
    %add3A_316 = arith.constant 176 : i32
    %add3A_317 = arith.addi %mul3A_8, %add3A_316 : i32
    %dma_wait3A_318 = arith.constant 0 : i32
    %dma_wait3A_319 = tpu.memref_slice %arg11[%add3A_317, %dma_wait3A_318] : memref<10000x128xf32, #tpu.memory_space<vmem_shared>> -> memref<16x128xf32, #tpu.memory_space<vmem_shared>>
    %dma_wait3A_320 = arith.constant 0 : i32
    %dma_wait3A_321 = tpu.memref_slice %arg11[%add3A_317, %dma_wait3A_320] : memref<10000x128xf32, #tpu.memory_space<vmem_shared>> -> memref<16x128xf32, #tpu.memory_space<vmem_shared>>
    tpu.wait_dma2 semaphore(%arg13 : memref<!tpu.dma_semaphore, #tpu.memory_space<semaphore_mem>>) src(%arg10 : memref<16x128xf32, #tpu.memory_space<vmem>>) dst(%dma_wait3A_321 : memref<16x128xf32, #tpu.memory_space<vmem_shared>>)
    %add3A_322 = arith.constant 192 : i32
    %add3A_323 = arith.addi %mul3A_8, %add3A_322 : i32
    %dma_wait3A_324 = arith.constant 0 : i32
    %dma_wait3A_325 = tpu.memref_slice %arg11[%add3A_323, %dma_wait3A_324] : memref<10000x128xf32, #tpu.memory_space<vmem_shared>> -> memref<16x128xf32, #tpu.memory_space<vmem_shared>>
    %dma_wait3A_326 = arith.constant 0 : i32
    %dma_wait3A_327 = tpu.memref_slice %arg11[%add3A_323, %dma_wait3A_326] : memref<10000x128xf32, #tpu.memory_space<vmem_shared>> -> memref<16x128xf32, #tpu.memory_space<vmem_shared>>
    tpu.wait_dma2 semaphore(%arg13 : memref<!tpu.dma_semaphore, #tpu.memory_space<semaphore_mem>>) src(%arg10 : memref<16x128xf32, #tpu.memory_space<vmem>>) dst(%dma_wait3A_327 : memref<16x128xf32, #tpu.memory_space<vmem_shared>>)
    %add3A_328 = arith.constant 208 : i32
    %add3A_329 = arith.addi %mul3A_8, %add3A_328 : i32
    %dma_wait3A_330 = arith.constant 0 : i32
    %dma_wait3A_331 = tpu.memref_slice %arg11[%add3A_329, %dma_wait3A_330] : memref<10000x128xf32, #tpu.memory_space<vmem_shared>> -> memref<16x128xf32, #tpu.memory_space<vmem_shared>>
    %dma_wait3A_332 = arith.constant 0 : i32
    %dma_wait3A_333 = tpu.memref_slice %arg11[%add3A_329, %dma_wait3A_332] : memref<10000x128xf32, #tpu.memory_space<vmem_shared>> -> memref<16x128xf32, #tpu.memory_space<vmem_shared>>
    tpu.wait_dma2 semaphore(%arg13 : memref<!tpu.dma_semaphore, #tpu.memory_space<semaphore_mem>>) src(%arg10 : memref<16x128xf32, #tpu.memory_space<vmem>>) dst(%dma_wait3A_333 : memref<16x128xf32, #tpu.memory_space<vmem_shared>>)
    %add3A_334 = arith.constant 224 : i32
    %add3A_335 = arith.addi %mul3A_8, %add3A_334 : i32
    %dma_wait3A_336 = arith.constant 0 : i32
    %dma_wait3A_337 = tpu.memref_slice %arg11[%add3A_335, %dma_wait3A_336] : memref<10000x128xf32, #tpu.memory_space<vmem_shared>> -> memref<16x128xf32, #tpu.memory_space<vmem_shared>>
    %dma_wait3A_338 = arith.constant 0 : i32
    %dma_wait3A_339 = tpu.memref_slice %arg11[%add3A_335, %dma_wait3A_338] : memref<10000x128xf32, #tpu.memory_space<vmem_shared>> -> memref<16x128xf32, #tpu.memory_space<vmem_shared>>
    tpu.wait_dma2 semaphore(%arg13 : memref<!tpu.dma_semaphore, #tpu.memory_space<semaphore_mem>>) src(%arg10 : memref<16x128xf32, #tpu.memory_space<vmem>>) dst(%dma_wait3A_339 : memref<16x128xf32, #tpu.memory_space<vmem_shared>>)
    %add3A_340 = arith.constant 240 : i32
    %add3A_341 = arith.addi %mul3A_8, %add3A_340 : i32
    %dma_wait3A_342 = arith.constant 0 : i32
    %dma_wait3A_343 = tpu.memref_slice %arg11[%add3A_341, %dma_wait3A_342] : memref<10000x128xf32, #tpu.memory_space<vmem_shared>> -> memref<16x128xf32, #tpu.memory_space<vmem_shared>>
    %dma_wait3A_344 = arith.constant 0 : i32
    %dma_wait3A_345 = tpu.memref_slice %arg11[%add3A_341, %dma_wait3A_344] : memref<10000x128xf32, #tpu.memory_space<vmem_shared>> -> memref<16x128xf32, #tpu.memory_space<vmem_shared>>
    tpu.wait_dma2 semaphore(%arg13 : memref<!tpu.dma_semaphore, #tpu.memory_space<semaphore_mem>>) src(%arg10 : memref<16x128xf32, #tpu.memory_space<vmem>>) dst(%dma_wait3A_345 : memref<16x128xf32, #tpu.memory_space<vmem_shared>>)
    %add3A_346 = arith.constant 256 : i32
    %add3A_347 = arith.addi %mul3A_8, %add3A_346 : i32
    %dma_wait3A_348 = arith.constant 0 : i32
    %dma_wait3A_349 = tpu.memref_slice %arg11[%add3A_347, %dma_wait3A_348] : memref<10000x128xf32, #tpu.memory_space<vmem_shared>> -> memref<16x128xf32, #tpu.memory_space<vmem_shared>>
    %dma_wait3A_350 = arith.constant 0 : i32
    %dma_wait3A_351 = tpu.memref_slice %arg11[%add3A_347, %dma_wait3A_350] : memref<10000x128xf32, #tpu.memory_space<vmem_shared>> -> memref<16x128xf32, #tpu.memory_space<vmem_shared>>
    tpu.wait_dma2 semaphore(%arg13 : memref<!tpu.dma_semaphore, #tpu.memory_space<semaphore_mem>>) src(%arg10 : memref<16x128xf32, #tpu.memory_space<vmem>>) dst(%dma_wait3A_351 : memref<16x128xf32, #tpu.memory_space<vmem_shared>>)
    %add3A_352 = arith.constant 272 : i32
    %add3A_353 = arith.addi %mul3A_8, %add3A_352 : i32
    %dma_wait3A_354 = arith.constant 0 : i32
    %dma_wait3A_355 = tpu.memref_slice %arg11[%add3A_353, %dma_wait3A_354] : memref<10000x128xf32, #tpu.memory_space<vmem_shared>> -> memref<16x128xf32, #tpu.memory_space<vmem_shared>>
    %dma_wait3A_356 = arith.constant 0 : i32
    %dma_wait3A_357 = tpu.memref_slice %arg11[%add3A_353, %dma_wait3A_356] : memref<10000x128xf32, #tpu.memory_space<vmem_shared>> -> memref<16x128xf32, #tpu.memory_space<vmem_shared>>
    tpu.wait_dma2 semaphore(%arg13 : memref<!tpu.dma_semaphore, #tpu.memory_space<semaphore_mem>>) src(%arg10 : memref<16x128xf32, #tpu.memory_space<vmem>>) dst(%dma_wait3A_357 : memref<16x128xf32, #tpu.memory_space<vmem_shared>>)
    %add3A_358 = arith.constant 288 : i32
    %add3A_359 = arith.addi %mul3A_8, %add3A_358 : i32
    %dma_wait3A_360 = arith.constant 0 : i32
    %dma_wait3A_361 = tpu.memref_slice %arg11[%add3A_359, %dma_wait3A_360] : memref<10000x128xf32, #tpu.memory_space<vmem_shared>> -> memref<16x128xf32, #tpu.memory_space<vmem_shared>>
    %dma_wait3A_362 = arith.constant 0 : i32
    %dma_wait3A_363 = tpu.memref_slice %arg11[%add3A_359, %dma_wait3A_362] : memref<10000x128xf32, #tpu.memory_space<vmem_shared>> -> memref<16x128xf32, #tpu.memory_space<vmem_shared>>
    tpu.wait_dma2 semaphore(%arg13 : memref<!tpu.dma_semaphore, #tpu.memory_space<semaphore_mem>>) src(%arg10 : memref<16x128xf32, #tpu.memory_space<vmem>>) dst(%dma_wait3A_363 : memref<16x128xf32, #tpu.memory_space<vmem_shared>>)
    %add3A_364 = arith.constant 304 : i32
    %add3A_365 = arith.addi %mul3A_8, %add3A_364 : i32
    %dma_wait3A_366 = arith.constant 0 : i32
    %dma_wait3A_367 = tpu.memref_slice %arg11[%add3A_365, %dma_wait3A_366] : memref<10000x128xf32, #tpu.memory_space<vmem_shared>> -> memref<16x128xf32, #tpu.memory_space<vmem_shared>>
    %dma_wait3A_368 = arith.constant 0 : i32
    %dma_wait3A_369 = tpu.memref_slice %arg11[%add3A_365, %dma_wait3A_368] : memref<10000x128xf32, #tpu.memory_space<vmem_shared>> -> memref<16x128xf32, #tpu.memory_space<vmem_shared>>
    tpu.wait_dma2 semaphore(%arg13 : memref<!tpu.dma_semaphore, #tpu.memory_space<semaphore_mem>>) src(%arg10 : memref<16x128xf32, #tpu.memory_space<vmem>>) dst(%dma_wait3A_369 : memref<16x128xf32, #tpu.memory_space<vmem_shared>>)
    %add3A_370 = arith.constant 320 : i32
    %add3A_371 = arith.addi %mul3A_8, %add3A_370 : i32
    %dma_wait3A_372 = arith.constant 0 : i32
    %dma_wait3A_373 = tpu.memref_slice %arg11[%add3A_371, %dma_wait3A_372] : memref<10000x128xf32, #tpu.memory_space<vmem_shared>> -> memref<16x128xf32, #tpu.memory_space<vmem_shared>>
    %dma_wait3A_374 = arith.constant 0 : i32
    %dma_wait3A_375 = tpu.memref_slice %arg11[%add3A_371, %dma_wait3A_374] : memref<10000x128xf32, #tpu.memory_space<vmem_shared>> -> memref<16x128xf32, #tpu.memory_space<vmem_shared>>
    tpu.wait_dma2 semaphore(%arg13 : memref<!tpu.dma_semaphore, #tpu.memory_space<semaphore_mem>>) src(%arg10 : memref<16x128xf32, #tpu.memory_space<vmem>>) dst(%dma_wait3A_375 : memref<16x128xf32, #tpu.memory_space<vmem_shared>>)
    %add3A_376 = arith.constant 336 : i32
    %add3A_377 = arith.addi %mul3A_8, %add3A_376 : i32
    %dma_wait3A_378 = arith.constant 0 : i32
    %dma_wait3A_379 = tpu.memref_slice %arg11[%add3A_377, %dma_wait3A_378] : memref<10000x128xf32, #tpu.memory_space<vmem_shared>> -> memref<16x128xf32, #tpu.memory_space<vmem_shared>>
    %dma_wait3A_380 = arith.constant 0 : i32
    %dma_wait3A_381 = tpu.memref_slice %arg11[%add3A_377, %dma_wait3A_380] : memref<10000x128xf32, #tpu.memory_space<vmem_shared>> -> memref<16x128xf32, #tpu.memory_space<vmem_shared>>
    tpu.wait_dma2 semaphore(%arg13 : memref<!tpu.dma_semaphore, #tpu.memory_space<semaphore_mem>>) src(%arg10 : memref<16x128xf32, #tpu.memory_space<vmem>>) dst(%dma_wait3A_381 : memref<16x128xf32, #tpu.memory_space<vmem_shared>>)
    %add3A_382 = arith.constant 352 : i32
    %add3A_383 = arith.addi %mul3A_8, %add3A_382 : i32
    %dma_wait3A_384 = arith.constant 0 : i32
    %dma_wait3A_385 = tpu.memref_slice %arg11[%add3A_383, %dma_wait3A_384] : memref<10000x128xf32, #tpu.memory_space<vmem_shared>> -> memref<16x128xf32, #tpu.memory_space<vmem_shared>>
    %dma_wait3A_386 = arith.constant 0 : i32
    %dma_wait3A_387 = tpu.memref_slice %arg11[%add3A_383, %dma_wait3A_386] : memref<10000x128xf32, #tpu.memory_space<vmem_shared>> -> memref<16x128xf32, #tpu.memory_space<vmem_shared>>
    tpu.wait_dma2 semaphore(%arg13 : memref<!tpu.dma_semaphore, #tpu.memory_space<semaphore_mem>>) src(%arg10 : memref<16x128xf32, #tpu.memory_space<vmem>>) dst(%dma_wait3A_387 : memref<16x128xf32, #tpu.memory_space<vmem_shared>>)
    %add3A_388 = arith.constant 368 : i32
    %add3A_389 = arith.addi %mul3A_8, %add3A_388 : i32
    %dma_wait3A_390 = arith.constant 0 : i32
    %dma_wait3A_391 = tpu.memref_slice %arg11[%add3A_389, %dma_wait3A_390] : memref<10000x128xf32, #tpu.memory_space<vmem_shared>> -> memref<16x128xf32, #tpu.memory_space<vmem_shared>>
    %dma_wait3A_392 = arith.constant 0 : i32
    %dma_wait3A_393 = tpu.memref_slice %arg11[%add3A_389, %dma_wait3A_392] : memref<10000x128xf32, #tpu.memory_space<vmem_shared>> -> memref<16x128xf32, #tpu.memory_space<vmem_shared>>
    tpu.wait_dma2 semaphore(%arg13 : memref<!tpu.dma_semaphore, #tpu.memory_space<semaphore_mem>>) src(%arg10 : memref<16x128xf32, #tpu.memory_space<vmem>>) dst(%dma_wait3A_393 : memref<16x128xf32, #tpu.memory_space<vmem_shared>>)
    %add3A_394 = arith.constant 384 : i32
    %add3A_395 = arith.addi %mul3A_8, %add3A_394 : i32
    %dma_wait3A_396 = arith.constant 0 : i32
    %dma_wait3A_397 = tpu.memref_slice %arg11[%add3A_395, %dma_wait3A_396] : memref<10000x128xf32, #tpu.memory_space<vmem_shared>> -> memref<16x128xf32, #tpu.memory_space<vmem_shared>>
    %dma_wait3A_398 = arith.constant 0 : i32
    %dma_wait3A_399 = tpu.memref_slice %arg11[%add3A_395, %dma_wait3A_398] : memref<10000x128xf32, #tpu.memory_space<vmem_shared>> -> memref<16x128xf32, #tpu.memory_space<vmem_shared>>
    tpu.wait_dma2 semaphore(%arg13 : memref<!tpu.dma_semaphore, #tpu.memory_space<semaphore_mem>>) src(%arg10 : memref<16x128xf32, #tpu.memory_space<vmem>>) dst(%dma_wait3A_399 : memref<16x128xf32, #tpu.memory_space<vmem_shared>>)
    %add3A_400 = arith.constant 400 : i32
    %add3A_401 = arith.addi %mul3A_8, %add3A_400 : i32
    %dma_wait3A_402 = arith.constant 0 : i32
    %dma_wait3A_403 = tpu.memref_slice %arg11[%add3A_401, %dma_wait3A_402] : memref<10000x128xf32, #tpu.memory_space<vmem_shared>> -> memref<16x128xf32, #tpu.memory_space<vmem_shared>>
    %dma_wait3A_404 = arith.constant 0 : i32
    %dma_wait3A_405 = tpu.memref_slice %arg11[%add3A_401, %dma_wait3A_404] : memref<10000x128xf32, #tpu.memory_space<vmem_shared>> -> memref<16x128xf32, #tpu.memory_space<vmem_shared>>
    tpu.wait_dma2 semaphore(%arg13 : memref<!tpu.dma_semaphore, #tpu.memory_space<semaphore_mem>>) src(%arg10 : memref<16x128xf32, #tpu.memory_space<vmem>>) dst(%dma_wait3A_405 : memref<16x128xf32, #tpu.memory_space<vmem_shared>>)
    %add3A_406 = arith.constant 416 : i32
    %add3A_407 = arith.addi %mul3A_8, %add3A_406 : i32
    %dma_wait3A_408 = arith.constant 0 : i32
    %dma_wait3A_409 = tpu.memref_slice %arg11[%add3A_407, %dma_wait3A_408] : memref<10000x128xf32, #tpu.memory_space<vmem_shared>> -> memref<16x128xf32, #tpu.memory_space<vmem_shared>>
    %dma_wait3A_410 = arith.constant 0 : i32
    %dma_wait3A_411 = tpu.memref_slice %arg11[%add3A_407, %dma_wait3A_410] : memref<10000x128xf32, #tpu.memory_space<vmem_shared>> -> memref<16x128xf32, #tpu.memory_space<vmem_shared>>
    tpu.wait_dma2 semaphore(%arg13 : memref<!tpu.dma_semaphore, #tpu.memory_space<semaphore_mem>>) src(%arg10 : memref<16x128xf32, #tpu.memory_space<vmem>>) dst(%dma_wait3A_411 : memref<16x128xf32, #tpu.memory_space<vmem_shared>>)
    %add3A_412 = arith.constant 432 : i32
    %add3A_413 = arith.addi %mul3A_8, %add3A_412 : i32
    %dma_wait3A_414 = arith.constant 0 : i32
    %dma_wait3A_415 = tpu.memref_slice %arg11[%add3A_413, %dma_wait3A_414] : memref<10000x128xf32, #tpu.memory_space<vmem_shared>> -> memref<16x128xf32, #tpu.memory_space<vmem_shared>>
    %dma_wait3A_416 = arith.constant 0 : i32
    %dma_wait3A_417 = tpu.memref_slice %arg11[%add3A_413, %dma_wait3A_416] : memref<10000x128xf32, #tpu.memory_space<vmem_shared>> -> memref<16x128xf32, #tpu.memory_space<vmem_shared>>
    tpu.wait_dma2 semaphore(%arg13 : memref<!tpu.dma_semaphore, #tpu.memory_space<semaphore_mem>>) src(%arg10 : memref<16x128xf32, #tpu.memory_space<vmem>>) dst(%dma_wait3A_417 : memref<16x128xf32, #tpu.memory_space<vmem_shared>>)
    %add3A_418 = arith.constant 448 : i32
    %add3A_419 = arith.addi %mul3A_8, %add3A_418 : i32
    %dma_wait3A_420 = arith.constant 0 : i32
    %dma_wait3A_421 = tpu.memref_slice %arg11[%add3A_419, %dma_wait3A_420] : memref<10000x128xf32, #tpu.memory_space<vmem_shared>> -> memref<16x128xf32, #tpu.memory_space<vmem_shared>>
    %dma_wait3A_422 = arith.constant 0 : i32
    %dma_wait3A_423 = tpu.memref_slice %arg11[%add3A_419, %dma_wait3A_422] : memref<10000x128xf32, #tpu.memory_space<vmem_shared>> -> memref<16x128xf32, #tpu.memory_space<vmem_shared>>
    tpu.wait_dma2 semaphore(%arg13 : memref<!tpu.dma_semaphore, #tpu.memory_space<semaphore_mem>>) src(%arg10 : memref<16x128xf32, #tpu.memory_space<vmem>>) dst(%dma_wait3A_423 : memref<16x128xf32, #tpu.memory_space<vmem_shared>>)
    %add3A_424 = arith.constant 464 : i32
    %add3A_425 = arith.addi %mul3A_8, %add3A_424 : i32
    %dma_wait3A_426 = arith.constant 0 : i32
    %dma_wait3A_427 = tpu.memref_slice %arg11[%add3A_425, %dma_wait3A_426] : memref<10000x128xf32, #tpu.memory_space<vmem_shared>> -> memref<16x128xf32, #tpu.memory_space<vmem_shared>>
    %dma_wait3A_428 = arith.constant 0 : i32
    %dma_wait3A_429 = tpu.memref_slice %arg11[%add3A_425, %dma_wait3A_428] : memref<10000x128xf32, #tpu.memory_space<vmem_shared>> -> memref<16x128xf32, #tpu.memory_space<vmem_shared>>
    tpu.wait_dma2 semaphore(%arg13 : memref<!tpu.dma_semaphore, #tpu.memory_space<semaphore_mem>>) src(%arg10 : memref<16x128xf32, #tpu.memory_space<vmem>>) dst(%dma_wait3A_429 : memref<16x128xf32, #tpu.memory_space<vmem_shared>>)
    %add3A_430 = arith.constant 480 : i32
    %add3A_431 = arith.addi %mul3A_8, %add3A_430 : i32
    %dma_wait3A_432 = arith.constant 0 : i32
    %dma_wait3A_433 = tpu.memref_slice %arg11[%add3A_431, %dma_wait3A_432] : memref<10000x128xf32, #tpu.memory_space<vmem_shared>> -> memref<16x128xf32, #tpu.memory_space<vmem_shared>>
    %dma_wait3A_434 = arith.constant 0 : i32
    %dma_wait3A_435 = tpu.memref_slice %arg11[%add3A_431, %dma_wait3A_434] : memref<10000x128xf32, #tpu.memory_space<vmem_shared>> -> memref<16x128xf32, #tpu.memory_space<vmem_shared>>
    tpu.wait_dma2 semaphore(%arg13 : memref<!tpu.dma_semaphore, #tpu.memory_space<semaphore_mem>>) src(%arg10 : memref<16x128xf32, #tpu.memory_space<vmem>>) dst(%dma_wait3A_435 : memref<16x128xf32, #tpu.memory_space<vmem_shared>>)
    %add3A_436 = arith.constant 496 : i32
    %add3A_437 = arith.addi %mul3A_8, %add3A_436 : i32
    %dma_wait3A_438 = arith.constant 0 : i32
    %dma_wait3A_439 = tpu.memref_slice %arg11[%add3A_437, %dma_wait3A_438] : memref<10000x128xf32, #tpu.memory_space<vmem_shared>> -> memref<16x128xf32, #tpu.memory_space<vmem_shared>>
    %dma_wait3A_440 = arith.constant 0 : i32
    %dma_wait3A_441 = tpu.memref_slice %arg11[%add3A_437, %dma_wait3A_440] : memref<10000x128xf32, #tpu.memory_space<vmem_shared>> -> memref<16x128xf32, #tpu.memory_space<vmem_shared>>
    tpu.wait_dma2 semaphore(%arg13 : memref<!tpu.dma_semaphore, #tpu.memory_space<semaphore_mem>>) src(%arg10 : memref<16x128xf32, #tpu.memory_space<vmem>>) dst(%dma_wait3A_441 : memref<16x128xf32, #tpu.memory_space<vmem_shared>>)
    %add3A_442 = arith.constant 512 : i32
    %add3A_443 = arith.addi %mul3A_8, %add3A_442 : i32
    %dma_wait3A_444 = arith.constant 0 : i32
    %dma_wait3A_445 = tpu.memref_slice %arg11[%add3A_443, %dma_wait3A_444] : memref<10000x128xf32, #tpu.memory_space<vmem_shared>> -> memref<16x128xf32, #tpu.memory_space<vmem_shared>>
    %dma_wait3A_446 = arith.constant 0 : i32
    %dma_wait3A_447 = tpu.memref_slice %arg11[%add3A_443, %dma_wait3A_446] : memref<10000x128xf32, #tpu.memory_space<vmem_shared>> -> memref<16x128xf32, #tpu.memory_space<vmem_shared>>
    tpu.wait_dma2 semaphore(%arg13 : memref<!tpu.dma_semaphore, #tpu.memory_space<semaphore_mem>>) src(%arg10 : memref<16x128xf32, #tpu.memory_space<vmem>>) dst(%dma_wait3A_447 : memref<16x128xf32, #tpu.memory_space<vmem_shared>>)
    %add3A_448 = arith.constant 528 : i32
    %add3A_449 = arith.addi %mul3A_8, %add3A_448 : i32
    %dma_wait3A_450 = arith.constant 0 : i32
    %dma_wait3A_451 = tpu.memref_slice %arg11[%add3A_449, %dma_wait3A_450] : memref<10000x128xf32, #tpu.memory_space<vmem_shared>> -> memref<16x128xf32, #tpu.memory_space<vmem_shared>>
    %dma_wait3A_452 = arith.constant 0 : i32
    %dma_wait3A_453 = tpu.memref_slice %arg11[%add3A_449, %dma_wait3A_452] : memref<10000x128xf32, #tpu.memory_space<vmem_shared>> -> memref<16x128xf32, #tpu.memory_space<vmem_shared>>
    tpu.wait_dma2 semaphore(%arg13 : memref<!tpu.dma_semaphore, #tpu.memory_space<semaphore_mem>>) src(%arg10 : memref<16x128xf32, #tpu.memory_space<vmem>>) dst(%dma_wait3A_453 : memref<16x128xf32, #tpu.memory_space<vmem_shared>>)
    %add3A_454 = arith.constant 544 : i32
    %add3A_455 = arith.addi %mul3A_8, %add3A_454 : i32
    %dma_wait3A_456 = arith.constant 0 : i32
    %dma_wait3A_457 = tpu.memref_slice %arg11[%add3A_455, %dma_wait3A_456] : memref<10000x128xf32, #tpu.memory_space<vmem_shared>> -> memref<16x128xf32, #tpu.memory_space<vmem_shared>>
    %dma_wait3A_458 = arith.constant 0 : i32
    %dma_wait3A_459 = tpu.memref_slice %arg11[%add3A_455, %dma_wait3A_458] : memref<10000x128xf32, #tpu.memory_space<vmem_shared>> -> memref<16x128xf32, #tpu.memory_space<vmem_shared>>
    tpu.wait_dma2 semaphore(%arg13 : memref<!tpu.dma_semaphore, #tpu.memory_space<semaphore_mem>>) src(%arg10 : memref<16x128xf32, #tpu.memory_space<vmem>>) dst(%dma_wait3A_459 : memref<16x128xf32, #tpu.memory_space<vmem_shared>>)
    %add3A_460 = arith.constant 560 : i32
    %add3A_461 = arith.addi %mul3A_8, %add3A_460 : i32
    %dma_wait3A_462 = arith.constant 0 : i32
    %dma_wait3A_463 = tpu.memref_slice %arg11[%add3A_461, %dma_wait3A_462] : memref<10000x128xf32, #tpu.memory_space<vmem_shared>> -> memref<16x128xf32, #tpu.memory_space<vmem_shared>>
    %dma_wait3A_464 = arith.constant 0 : i32
    %dma_wait3A_465 = tpu.memref_slice %arg11[%add3A_461, %dma_wait3A_464] : memref<10000x128xf32, #tpu.memory_space<vmem_shared>> -> memref<16x128xf32, #tpu.memory_space<vmem_shared>>
    tpu.wait_dma2 semaphore(%arg13 : memref<!tpu.dma_semaphore, #tpu.memory_space<semaphore_mem>>) src(%arg10 : memref<16x128xf32, #tpu.memory_space<vmem>>) dst(%dma_wait3A_465 : memref<16x128xf32, #tpu.memory_space<vmem_shared>>)
    %add3A_466 = arith.constant 576 : i32
    %add3A_467 = arith.addi %mul3A_8, %add3A_466 : i32
    %dma_wait3A_468 = arith.constant 0 : i32
    %dma_wait3A_469 = tpu.memref_slice %arg11[%add3A_467, %dma_wait3A_468] : memref<10000x128xf32, #tpu.memory_space<vmem_shared>> -> memref<16x128xf32, #tpu.memory_space<vmem_shared>>
    %dma_wait3A_470 = arith.constant 0 : i32
    %dma_wait3A_471 = tpu.memref_slice %arg11[%add3A_467, %dma_wait3A_470] : memref<10000x128xf32, #tpu.memory_space<vmem_shared>> -> memref<16x128xf32, #tpu.memory_space<vmem_shared>>
    tpu.wait_dma2 semaphore(%arg13 : memref<!tpu.dma_semaphore, #tpu.memory_space<semaphore_mem>>) src(%arg10 : memref<16x128xf32, #tpu.memory_space<vmem>>) dst(%dma_wait3A_471 : memref<16x128xf32, #tpu.memory_space<vmem_shared>>)
    %add3A_472 = arith.constant 592 : i32
    %add3A_473 = arith.addi %mul3A_8, %add3A_472 : i32
    %dma_wait3A_474 = arith.constant 0 : i32
    %dma_wait3A_475 = tpu.memref_slice %arg11[%add3A_473, %dma_wait3A_474] : memref<10000x128xf32, #tpu.memory_space<vmem_shared>> -> memref<16x128xf32, #tpu.memory_space<vmem_shared>>
    %dma_wait3A_476 = arith.constant 0 : i32
    %dma_wait3A_477 = tpu.memref_slice %arg11[%add3A_473, %dma_wait3A_476] : memref<10000x128xf32, #tpu.memory_space<vmem_shared>> -> memref<16x128xf32, #tpu.memory_space<vmem_shared>>
    tpu.wait_dma2 semaphore(%arg13 : memref<!tpu.dma_semaphore, #tpu.memory_space<semaphore_mem>>) src(%arg10 : memref<16x128xf32, #tpu.memory_space<vmem>>) dst(%dma_wait3A_477 : memref<16x128xf32, #tpu.memory_space<vmem_shared>>)
    %add3A_478 = arith.constant 608 : i32
    %add3A_479 = arith.addi %mul3A_8, %add3A_478 : i32
    %dma_wait3A_480 = arith.constant 0 : i32
    %dma_wait3A_481 = tpu.memref_slice %arg11[%add3A_479, %dma_wait3A_480] : memref<10000x128xf32, #tpu.memory_space<vmem_shared>> -> memref<16x128xf32, #tpu.memory_space<vmem_shared>>
    %dma_wait3A_482 = arith.constant 0 : i32
    %dma_wait3A_483 = tpu.memref_slice %arg11[%add3A_479, %dma_wait3A_482] : memref<10000x128xf32, #tpu.memory_space<vmem_shared>> -> memref<16x128xf32, #tpu.memory_space<vmem_shared>>
    tpu.wait_dma2 semaphore(%arg13 : memref<!tpu.dma_semaphore, #tpu.memory_space<semaphore_mem>>) src(%arg10 : memref<16x128xf32, #tpu.memory_space<vmem>>) dst(%dma_wait3A_483 : memref<16x128xf32, #tpu.memory_space<vmem_shared>>)
    %eq3A_484 = arith.constant 15 : i32
    %eq3A_485 = arith.cmpi eq, %arg1, %eq3A_484 : i32
    %convert_element_type3A_486 = arith.extui %eq3A_485 : i1 to i32
    %cond3A_487 = arith.constant 0 : i32
    %cond3A_488 = arith.cmpi ne, %convert_element_type3A_486, %cond3A_487 : i32
    scf.if %cond3A_488 {
      %dma_wait3A_528 = arith.constant 0 : i32
      %dma_wait3A_529 = arith.constant 0 : i32
      %dma_wait3A_530 = tpu.memref_slice %arg10[%dma_wait3A_528, %dma_wait3A_529] : memref<16x128xf32, #tpu.memory_space<vmem>> -> memref<16x128xf32, #tpu.memory_space<vmem>>
      %dma_wait3A_531 = arith.constant 9984 : i32
      %dma_wait3A_532 = arith.constant 0 : i32
      %dma_wait3A_533 = tpu.memref_slice %arg11[%dma_wait3A_531, %dma_wait3A_532] : memref<10000x128xf32, #tpu.memory_space<vmem_shared>> -> memref<16x128xf32, #tpu.memory_space<vmem_shared>>
      %dma_wait3A_534 = arith.constant 9984 : i32
      %dma_wait3A_535 = arith.constant 0 : i32
      %dma_wait3A_536 = tpu.memref_slice %arg11[%dma_wait3A_534, %dma_wait3A_535] : memref<10000x128xf32, #tpu.memory_space<vmem_shared>> -> memref<16x128xf32, #tpu.memory_space<vmem_shared>>
      %dma_wait3A_537 = arith.constant 0 : i32
      %dma_wait3A_538 = arith.constant 0 : i32
      %dma_wait3A_539 = tpu.memref_slice %arg10[%dma_wait3A_537, %dma_wait3A_538] : memref<16x128xf32, #tpu.memory_space<vmem>> -> memref<16x128xf32, #tpu.memory_space<vmem>>
      tpu.wait_dma2 semaphore(%arg13 : memref<!tpu.dma_semaphore, #tpu.memory_space<semaphore_mem>>) src(%dma_wait3A_539 : memref<16x128xf32, #tpu.memory_space<vmem>>) dst(%dma_wait3A_536 : memref<16x128xf32, #tpu.memory_space<vmem_shared>>)
    } else {
    }
    %dma_start3A_489 = arith.constant 1 : i32
    %dma_start3A_490 = arith.constant 0 : i32
    %dma_start3A_491 = tpu.memref_slice %arg6[%dma_start3A_489, %dma_start3A_490] : memref<40x125xi32, #tpu.memory_space<vmem>> -> memref<1x125xi32, #tpu.memory_space<vmem>>
    %dma_start3A_492 = tpu.memref_squeeze %dma_start3A_491 : memref<1x125xi32, #tpu.memory_space<vmem>> -> memref<125xi32, #tpu.memory_space<vmem>>
    %dma_start3A_493 = arith.constant 0 : i32
    %dma_start3A_494 = arith.constant 0 : i32
    %dma_start3A_495 = tpu.memref_slice %arg2[%dma_start3A_493, %dma_start3A_494] : memref<10000x128xf32, #tpu.memory_space<hbm>> -> memref<10000x128xf32, #tpu.memory_space<hbm>>
    tpu.enqueue_indirect_dma source(%dma_start3A_495 : memref<10000x128xf32, #tpu.memory_space<hbm>>) target(%arg9 : memref<125x128xf32, #tpu.memory_space<vmem>>) offsets(%dma_start3A_492 : memref<125xi32, #tpu.memory_space<vmem>>) semaphore(%arg13 : memref<!tpu.dma_semaphore, #tpu.memory_space<semaphore_mem>>)
    %barrier3A = arith.constant 0 : index
    tpu.barrier barrier_id(%barrier3A)
    %scan3A_496 = arith.constant 0 : i32
    %scan3A_497 = arith.constant 0 : i32
    %scan3A_498 = arith.constant 20 : i32
    %scan3A_499 = arith.addi %scan3A_497, %scan3A_498 : i32
    %scan3A_500 = arith.constant 1 : i32
    scf.for %scan3A_528 = %scan3A_497 to %scan3A_499 step %scan3A_500  : i32 {
      %mul3A_529 = arith.constant 2 : i32
      %mul3A_530 = arith.muli %mul3A_529, %scan3A_528 : i32
      %dma_wait3A_531 = arith.constant 0 : i32
      %dma_wait3A_532 = tpu.memref_slice %arg6[%mul3A_530, %dma_wait3A_531] : memref<40x125xi32, #tpu.memory_space<vmem>> -> memref<1x125xi32, #tpu.memory_space<vmem>>
      %dma_wait3A_533 = tpu.memref_squeeze %dma_wait3A_532 : memref<1x125xi32, #tpu.memory_space<vmem>> -> memref<125xi32, #tpu.memory_space<vmem>>
      %dma_wait3A_534 = arith.constant 0 : i32
      %dma_wait3A_535 = arith.constant 0 : i32
      %dma_wait3A_536 = tpu.memref_slice %arg2[%dma_wait3A_534, %dma_wait3A_535] : memref<10000x128xf32, #tpu.memory_space<hbm>> -> memref<10000x128xf32, #tpu.memory_space<hbm>>
      tpu.wait_indirect_dma semaphore(%arg12 : memref<!tpu.dma_semaphore, #tpu.memory_space<semaphore_mem>>) src(%dma_wait3A_536 : memref<10000x128xf32, #tpu.memory_space<hbm>>) dst(%arg8 : memref<125x128xf32, #tpu.memory_space<vmem>>)
      "tpu.region"() ({
        %run_scoped3A = tpu.sem_alloc : memref<!tpu.dma_semaphore, #tpu.memory_space<semaphore_mem>>
        %dma_start3A_558 = arith.constant 0 : i32
        %dma_start3A_559 = tpu.memref_slice %arg7[%mul3A_530, %dma_start3A_558] : memref<40x125xi32, #tpu.memory_space<vmem>> -> memref<1x125xi32, #tpu.memory_space<vmem>>
        %dma_start3A_560 = tpu.memref_squeeze %dma_start3A_559 : memref<1x125xi32, #tpu.memory_space<vmem>> -> memref<125xi32, #tpu.memory_space<vmem>>
        %dma_start3A_561 = arith.constant 0 : i32
        %dma_start3A_562 = arith.constant 0 : i32
        %dma_start3A_563 = tpu.memref_slice %arg11[%dma_start3A_561, %dma_start3A_562] : memref<10000x128xf32, #tpu.memory_space<vmem_shared>> -> memref<10000x128xf32, #tpu.memory_space<vmem_shared>>
        tpu.enqueue_indirect_dma source(%arg8 : memref<125x128xf32, #tpu.memory_space<vmem>>) target(%dma_start3A_563 : memref<10000x128xf32, #tpu.memory_space<vmem_shared>>) offsets(%dma_start3A_560 : memref<125xi32, #tpu.memory_space<vmem>>) semaphore(%run_scoped3A : memref<!tpu.dma_semaphore, #tpu.memory_space<semaphore_mem>>) {add = true}
        %dma_wait3A_564 = arith.constant 0 : i32
        %dma_wait3A_565 = tpu.memref_slice %arg7[%mul3A_530, %dma_wait3A_564] : memref<40x125xi32, #tpu.memory_space<vmem>> -> memref<1x125xi32, #tpu.memory_space<vmem>>
        %dma_wait3A_566 = tpu.memref_squeeze %dma_wait3A_565 : memref<1x125xi32, #tpu.memory_space<vmem>> -> memref<125xi32, #tpu.memory_space<vmem>>
        %dma_wait3A_567 = arith.constant 0 : i32
        %dma_wait3A_568 = arith.constant 0 : i32
        %dma_wait3A_569 = tpu.memref_slice %arg11[%dma_wait3A_567, %dma_wait3A_568] : memref<10000x128xf32, #tpu.memory_space<vmem_shared>> -> memref<10000x128xf32, #tpu.memory_space<vmem_shared>>
        tpu.wait_indirect_dma semaphore(%run_scoped3A : memref<!tpu.dma_semaphore, #tpu.memory_space<semaphore_mem>>) src(%arg8 : memref<125x128xf32, #tpu.memory_space<vmem>>) dst(%dma_wait3A_569 : memref<10000x128xf32, #tpu.memory_space<vmem_shared>>)
        tpu.yield
      }) : () -> ()
      %add3A_537 = arith.constant 1 : i32
      %add3A_538 = arith.addi %scan3A_528, %add3A_537 : i32
      %lt3A = arith.constant 20 : i32
      %lt3A_539 = arith.cmpi slt, %add3A_538, %lt3A : i32
      %convert_element_type3A_540 = arith.extui %lt3A_539 : i1 to i32
      %cond3A_541 = arith.constant 0 : i32
      %cond3A_542 = arith.cmpi ne, %convert_element_type3A_540, %cond3A_541 : i32
      scf.if %cond3A_542 {
        %add3A_558 = arith.constant 2 : i32
        %add3A_559 = arith.addi %mul3A_530, %add3A_558 : i32
        %dma_start3A_560 = arith.constant 0 : i32
        %dma_start3A_561 = tpu.memref_slice %arg6[%add3A_559, %dma_start3A_560] : memref<40x125xi32, #tpu.memory_space<vmem>> -> memref<1x125xi32, #tpu.memory_space<vmem>>
        %dma_start3A_562 = tpu.memref_squeeze %dma_start3A_561 : memref<1x125xi32, #tpu.memory_space<vmem>> -> memref<125xi32, #tpu.memory_space<vmem>>
        %dma_start3A_563 = arith.constant 0 : i32
        %dma_start3A_564 = arith.constant 0 : i32
        %dma_start3A_565 = tpu.memref_slice %arg2[%dma_start3A_563, %dma_start3A_564] : memref<10000x128xf32, #tpu.memory_space<hbm>> -> memref<10000x128xf32, #tpu.memory_space<hbm>>
        tpu.enqueue_indirect_dma source(%dma_start3A_565 : memref<10000x128xf32, #tpu.memory_space<hbm>>) target(%arg8 : memref<125x128xf32, #tpu.memory_space<vmem>>) offsets(%dma_start3A_562 : memref<125xi32, #tpu.memory_space<vmem>>) semaphore(%arg12 : memref<!tpu.dma_semaphore, #tpu.memory_space<semaphore_mem>>)
      } else {
      }
      %add3A_543 = arith.constant 1 : i32
      %add3A_544 = arith.addi %mul3A_530, %add3A_543 : i32
      %dma_wait3A_545 = arith.constant 0 : i32
      %dma_wait3A_546 = tpu.memref_slice %arg6[%add3A_544, %dma_wait3A_545] : memref<40x125xi32, #tpu.memory_space<vmem>> -> memref<1x125xi32, #tpu.memory_space<vmem>>
      %dma_wait3A_547 = tpu.memref_squeeze %dma_wait3A_546 : memref<1x125xi32, #tpu.memory_space<vmem>> -> memref<125xi32, #tpu.memory_space<vmem>>
      %dma_wait3A_548 = arith.constant 0 : i32
      %dma_wait3A_549 = arith.constant 0 : i32
      %dma_wait3A_550 = tpu.memref_slice %arg2[%dma_wait3A_548, %dma_wait3A_549] : memref<10000x128xf32, #tpu.memory_space<hbm>> -> memref<10000x128xf32, #tpu.memory_space<hbm>>
      tpu.wait_indirect_dma semaphore(%arg13 : memref<!tpu.dma_semaphore, #tpu.memory_space<semaphore_mem>>) src(%dma_wait3A_550 : memref<10000x128xf32, #tpu.memory_space<hbm>>) dst(%arg9 : memref<125x128xf32, #tpu.memory_space<vmem>>)
      "tpu.region"() ({
        %run_scoped3A = tpu.sem_alloc : memref<!tpu.dma_semaphore, #tpu.memory_space<semaphore_mem>>
        %dma_start3A_558 = arith.constant 0 : i32
        %dma_start3A_559 = tpu.memref_slice %arg7[%add3A_544, %dma_start3A_558] : memref<40x125xi32, #tpu.memory_space<vmem>> -> memref<1x125xi32, #tpu.memory_space<vmem>>
        %dma_start3A_560 = tpu.memref_squeeze %dma_start3A_559 : memref<1x125xi32, #tpu.memory_space<vmem>> -> memref<125xi32, #tpu.memory_space<vmem>>
        %dma_start3A_561 = arith.constant 0 : i32
        %dma_start3A_562 = arith.constant 0 : i32
        %dma_start3A_563 = tpu.memref_slice %arg11[%dma_start3A_561, %dma_start3A_562] : memref<10000x128xf32, #tpu.memory_space<vmem_shared>> -> memref<10000x128xf32, #tpu.memory_space<vmem_shared>>
        tpu.enqueue_indirect_dma source(%arg9 : memref<125x128xf32, #tpu.memory_space<vmem>>) target(%dma_start3A_563 : memref<10000x128xf32, #tpu.memory_space<vmem_shared>>) offsets(%dma_start3A_560 : memref<125xi32, #tpu.memory_space<vmem>>) semaphore(%run_scoped3A : memref<!tpu.dma_semaphore, #tpu.memory_space<semaphore_mem>>) {add = true}
        %dma_wait3A_564 = arith.constant 0 : i32
        %dma_wait3A_565 = tpu.memref_slice %arg7[%add3A_544, %dma_wait3A_564] : memref<40x125xi32, #tpu.memory_space<vmem>> -> memref<1x125xi32, #tpu.memory_space<vmem>>
        %dma_wait3A_566 = tpu.memref_squeeze %dma_wait3A_565 : memref<1x125xi32, #tpu.memory_space<vmem>> -> memref<125xi32, #tpu.memory_space<vmem>>
        %dma_wait3A_567 = arith.constant 0 : i32
        %dma_wait3A_568 = arith.constant 0 : i32
        %dma_wait3A_569 = tpu.memref_slice %arg11[%dma_wait3A_567, %dma_wait3A_568] : memref<10000x128xf32, #tpu.memory_space<vmem_shared>> -> memref<10000x128xf32, #tpu.memory_space<vmem_shared>>
        tpu.wait_indirect_dma semaphore(%run_scoped3A : memref<!tpu.dma_semaphore, #tpu.memory_space<semaphore_mem>>) src(%arg9 : memref<125x128xf32, #tpu.memory_space<vmem>>) dst(%dma_wait3A_569 : memref<10000x128xf32, #tpu.memory_space<vmem_shared>>)
        tpu.yield
      }) : () -> ()
      %add3A_551 = arith.constant 1 : i32
      %add3A_552 = arith.addi %scan3A_528, %add3A_551 : i32
      %lt3A_553 = arith.constant 20 : i32
      %lt3A_554 = arith.cmpi slt, %add3A_552, %lt3A_553 : i32
      %convert_element_type3A_555 = arith.extui %lt3A_554 : i1 to i32
      %cond3A_556 = arith.constant 0 : i32
      %cond3A_557 = arith.cmpi ne, %convert_element_type3A_555, %cond3A_556 : i32
      scf.if %cond3A_557 {
        %add3A_558 = arith.constant 2 : i32
        %add3A_559 = arith.addi %add3A_544, %add3A_558 : i32
        %dma_start3A_560 = arith.constant 0 : i32
        %dma_start3A_561 = tpu.memref_slice %arg6[%add3A_559, %dma_start3A_560] : memref<40x125xi32, #tpu.memory_space<vmem>> -> memref<1x125xi32, #tpu.memory_space<vmem>>
        %dma_start3A_562 = tpu.memref_squeeze %dma_start3A_561 : memref<1x125xi32, #tpu.memory_space<vmem>> -> memref<125xi32, #tpu.memory_space<vmem>>
        %dma_start3A_563 = arith.constant 0 : i32
        %dma_start3A_564 = arith.constant 0 : i32
        %dma_start3A_565 = tpu.memref_slice %arg2[%dma_start3A_563, %dma_start3A_564] : memref<10000x128xf32, #tpu.memory_space<hbm>> -> memref<10000x128xf32, #tpu.memory_space<hbm>>
        tpu.enqueue_indirect_dma source(%dma_start3A_565 : memref<10000x128xf32, #tpu.memory_space<hbm>>) target(%arg9 : memref<125x128xf32, #tpu.memory_space<vmem>>) offsets(%dma_start3A_562 : memref<125xi32, #tpu.memory_space<vmem>>) semaphore(%arg13 : memref<!tpu.dma_semaphore, #tpu.memory_space<semaphore_mem>>)
      } else {
      }
    }
    %scan3A_501 = arith.constant 20 : i32
    "tpu.region"() ({
      %run_scoped3A = tpu.sem_alloc : memref<!tpu.dma_semaphore, #tpu.memory_space<semaphore_mem>>
      %dma_start3A_528 = arith.constant 0 : i32
      %dma_start3A_529 = arith.constant 0 : i32
      %dma_start3A_530 = tpu.memref_slice %arg3[%add3A, %dma_start3A_528, %dma_start3A_529] : memref<32x80x125xi32, #tpu.memory_space<hbm>> -> memref<1x80x125xi32, #tpu.memory_space<hbm>>
      %dma_start3A_531 = tpu.memref_squeeze %dma_start3A_530 : memref<1x80x125xi32, #tpu.memory_space<hbm>> -> memref<80x125xi32, #tpu.memory_space<hbm>>
      %dma_start3A_532 = arith.constant 40 : i32
      %dma_start3A_533 = arith.constant 0 : i32
      %dma_start3A_534 = tpu.memref_slice %dma_start3A_531[%dma_start3A_532, %dma_start3A_533] : memref<80x125xi32, #tpu.memory_space<hbm>> -> memref<40x125xi32, #tpu.memory_space<hbm>>
      %dma_start3A_535 = arith.constant 0 : i32
      %dma_start3A_536 = arith.constant 0 : i32
      %dma_start3A_537 = tpu.memref_slice %arg3[%add3A, %dma_start3A_535, %dma_start3A_536] : memref<32x80x125xi32, #tpu.memory_space<hbm>> -> memref<1x80x125xi32, #tpu.memory_space<hbm>>
      %dma_start3A_538 = tpu.memref_squeeze %dma_start3A_537 : memref<1x80x125xi32, #tpu.memory_space<hbm>> -> memref<80x125xi32, #tpu.memory_space<hbm>>
      %dma_start3A_539 = arith.constant 40 : i32
      %dma_start3A_540 = arith.constant 0 : i32
      %dma_start3A_541 = tpu.memref_slice %dma_start3A_538[%dma_start3A_539, %dma_start3A_540] : memref<80x125xi32, #tpu.memory_space<hbm>> -> memref<40x125xi32, #tpu.memory_space<hbm>>
      tpu.enqueue_dma source(%dma_start3A_541 : memref<40x125xi32, #tpu.memory_space<hbm>>) target(%arg6 : memref<40x125xi32, #tpu.memory_space<vmem>>) target_semaphore(%run_scoped3A : memref<!tpu.dma_semaphore, #tpu.memory_space<semaphore_mem>>)
      %dma_wait3A_542 = arith.constant 0 : i32
      %dma_wait3A_543 = arith.constant 0 : i32
      %dma_wait3A_544 = tpu.memref_slice %arg3[%add3A, %dma_wait3A_542, %dma_wait3A_543] : memref<32x80x125xi32, #tpu.memory_space<hbm>> -> memref<1x80x125xi32, #tpu.memory_space<hbm>>
      %dma_wait3A_545 = tpu.memref_squeeze %dma_wait3A_544 : memref<1x80x125xi32, #tpu.memory_space<hbm>> -> memref<80x125xi32, #tpu.memory_space<hbm>>
      %dma_wait3A_546 = arith.constant 40 : i32
      %dma_wait3A_547 = arith.constant 0 : i32
      %dma_wait3A_548 = tpu.memref_slice %dma_wait3A_545[%dma_wait3A_546, %dma_wait3A_547] : memref<80x125xi32, #tpu.memory_space<hbm>> -> memref<40x125xi32, #tpu.memory_space<hbm>>
      %dma_wait3A_549 = arith.constant 0 : i32
      %dma_wait3A_550 = arith.constant 0 : i32
      %dma_wait3A_551 = tpu.memref_slice %arg3[%add3A, %dma_wait3A_549, %dma_wait3A_550] : memref<32x80x125xi32, #tpu.memory_space<hbm>> -> memref<1x80x125xi32, #tpu.memory_space<hbm>>
      %dma_wait3A_552 = tpu.memref_squeeze %dma_wait3A_551 : memref<1x80x125xi32, #tpu.memory_space<hbm>> -> memref<80x125xi32, #tpu.memory_space<hbm>>
      %dma_wait3A_553 = arith.constant 40 : i32
      %dma_wait3A_554 = arith.constant 0 : i32
      %dma_wait3A_555 = tpu.memref_slice %dma_wait3A_552[%dma_wait3A_553, %dma_wait3A_554] : memref<80x125xi32, #tpu.memory_space<hbm>> -> memref<40x125xi32, #tpu.memory_space<hbm>>
      tpu.wait_dma2 semaphore(%run_scoped3A : memref<!tpu.dma_semaphore, #tpu.memory_space<semaphore_mem>>) src(%dma_wait3A_555 : memref<40x125xi32, #tpu.memory_space<hbm>>) dst(%arg6 : memref<40x125xi32, #tpu.memory_space<vmem>>)
      tpu.yield
    }) : () -> ()
    "tpu.region"() ({
      %run_scoped3A = tpu.sem_alloc : memref<!tpu.dma_semaphore, #tpu.memory_space<semaphore_mem>>
      %dma_start3A_528 = arith.constant 0 : i32
      %dma_start3A_529 = arith.constant 0 : i32
      %dma_start3A_530 = tpu.memref_slice %arg4[%add3A, %dma_start3A_528, %dma_start3A_529] : memref<32x80x125xi32, #tpu.memory_space<hbm>> -> memref<1x80x125xi32, #tpu.memory_space<hbm>>
      %dma_start3A_531 = tpu.memref_squeeze %dma_start3A_530 : memref<1x80x125xi32, #tpu.memory_space<hbm>> -> memref<80x125xi32, #tpu.memory_space<hbm>>
      %dma_start3A_532 = arith.constant 40 : i32
      %dma_start3A_533 = arith.constant 0 : i32
      %dma_start3A_534 = tpu.memref_slice %dma_start3A_531[%dma_start3A_532, %dma_start3A_533] : memref<80x125xi32, #tpu.memory_space<hbm>> -> memref<40x125xi32, #tpu.memory_space<hbm>>
      %dma_start3A_535 = arith.constant 0 : i32
      %dma_start3A_536 = arith.constant 0 : i32
      %dma_start3A_537 = tpu.memref_slice %arg4[%add3A, %dma_start3A_535, %dma_start3A_536] : memref<32x80x125xi32, #tpu.memory_space<hbm>> -> memref<1x80x125xi32, #tpu.memory_space<hbm>>
      %dma_start3A_538 = tpu.memref_squeeze %dma_start3A_537 : memref<1x80x125xi32, #tpu.memory_space<hbm>> -> memref<80x125xi32, #tpu.memory_space<hbm>>
      %dma_start3A_539 = arith.constant 40 : i32
      %dma_start3A_540 = arith.constant 0 : i32
      %dma_start3A_541 = tpu.memref_slice %dma_start3A_538[%dma_start3A_539, %dma_start3A_540] : memref<80x125xi32, #tpu.memory_space<hbm>> -> memref<40x125xi32, #tpu.memory_space<hbm>>
      tpu.enqueue_dma source(%dma_start3A_541 : memref<40x125xi32, #tpu.memory_space<hbm>>) target(%arg7 : memref<40x125xi32, #tpu.memory_space<vmem>>) target_semaphore(%run_scoped3A : memref<!tpu.dma_semaphore, #tpu.memory_space<semaphore_mem>>)
      %dma_wait3A_542 = arith.constant 0 : i32
      %dma_wait3A_543 = arith.constant 0 : i32
      %dma_wait3A_544 = tpu.memref_slice %arg4[%add3A, %dma_wait3A_542, %dma_wait3A_543] : memref<32x80x125xi32, #tpu.memory_space<hbm>> -> memref<1x80x125xi32, #tpu.memory_space<hbm>>
      %dma_wait3A_545 = tpu.memref_squeeze %dma_wait3A_544 : memref<1x80x125xi32, #tpu.memory_space<hbm>> -> memref<80x125xi32, #tpu.memory_space<hbm>>
      %dma_wait3A_546 = arith.constant 40 : i32
      %dma_wait3A_547 = arith.constant 0 : i32
      %dma_wait3A_548 = tpu.memref_slice %dma_wait3A_545[%dma_wait3A_546, %dma_wait3A_547] : memref<80x125xi32, #tpu.memory_space<hbm>> -> memref<40x125xi32, #tpu.memory_space<hbm>>
      %dma_wait3A_549 = arith.constant 0 : i32
      %dma_wait3A_550 = arith.constant 0 : i32
      %dma_wait3A_551 = tpu.memref_slice %arg4[%add3A, %dma_wait3A_549, %dma_wait3A_550] : memref<32x80x125xi32, #tpu.memory_space<hbm>> -> memref<1x80x125xi32, #tpu.memory_space<hbm>>
      %dma_wait3A_552 = tpu.memref_squeeze %dma_wait3A_551 : memref<1x80x125xi32, #tpu.memory_space<hbm>> -> memref<80x125xi32, #tpu.memory_space<hbm>>
      %dma_wait3A_553 = arith.constant 40 : i32
      %dma_wait3A_554 = arith.constant 0 : i32
      %dma_wait3A_555 = tpu.memref_slice %dma_wait3A_552[%dma_wait3A_553, %dma_wait3A_554] : memref<80x125xi32, #tpu.memory_space<hbm>> -> memref<40x125xi32, #tpu.memory_space<hbm>>
      tpu.wait_dma2 semaphore(%run_scoped3A : memref<!tpu.dma_semaphore, #tpu.memory_space<semaphore_mem>>) src(%dma_wait3A_555 : memref<40x125xi32, #tpu.memory_space<hbm>>) dst(%arg7 : memref<40x125xi32, #tpu.memory_space<vmem>>)
      tpu.yield
    }) : () -> ()
    %dma_start3A_502 = arith.constant 0 : i32
    %dma_start3A_503 = arith.constant 0 : i32
    %dma_start3A_504 = tpu.memref_slice %arg6[%dma_start3A_502, %dma_start3A_503] : memref<40x125xi32, #tpu.memory_space<vmem>> -> memref<1x125xi32, #tpu.memory_space<vmem>>
    %dma_start3A_505 = tpu.memref_squeeze %dma_start3A_504 : memref<1x125xi32, #tpu.memory_space<vmem>> -> memref<125xi32, #tpu.memory_space<vmem>>
    %dma_start3A_506 = arith.constant 0 : i32
    %dma_start3A_507 = arith.constant 0 : i32
    %dma_start3A_508 = tpu.memref_slice %arg2[%dma_start3A_506, %dma_start3A_507] : memref<10000x128xf32, #tpu.memory_space<hbm>> -> memref<10000x128xf32, #tpu.memory_space<hbm>>
    tpu.enqueue_indirect_dma source(%dma_start3A_508 : memref<10000x128xf32, #tpu.memory_space<hbm>>) target(%arg8 : memref<125x128xf32, #tpu.memory_space<vmem>>) offsets(%dma_start3A_505 : memref<125xi32, #tpu.memory_space<vmem>>) semaphore(%arg12 : memref<!tpu.dma_semaphore, #tpu.memory_space<semaphore_mem>>)
    %dma_start3A_509 = arith.constant 1 : i32
    %dma_start3A_510 = arith.constant 0 : i32
    %dma_start3A_511 = tpu.memref_slice %arg6[%dma_start3A_509, %dma_start3A_510] : memref<40x125xi32, #tpu.memory_space<vmem>> -> memref<1x125xi32, #tpu.memory_space<vmem>>
    %dma_start3A_512 = tpu.memref_squeeze %dma_start3A_511 : memref<1x125xi32, #tpu.memory_space<vmem>> -> memref<125xi32, #tpu.memory_space<vmem>>
    %dma_start3A_513 = arith.constant 0 : i32
    %dma_start3A_514 = arith.constant 0 : i32
    %dma_start3A_515 = tpu.memref_slice %arg2[%dma_start3A_513, %dma_start3A_514] : memref<10000x128xf32, #tpu.memory_space<hbm>> -> memref<10000x128xf32, #tpu.memory_space<hbm>>
    tpu.enqueue_indirect_dma source(%dma_start3A_515 : memref<10000x128xf32, #tpu.memory_space<hbm>>) target(%arg9 : memref<125x128xf32, #tpu.memory_space<vmem>>) offsets(%dma_start3A_512 : memref<125xi32, #tpu.memory_space<vmem>>) semaphore(%arg13 : memref<!tpu.dma_semaphore, #tpu.memory_space<semaphore_mem>>)
    %scan3A_516 = arith.constant 0 : i32
    %scan3A_517 = arith.constant 0 : i32
    %scan3A_518 = arith.constant 20 : i32
    %scan3A_519 = arith.addi %scan3A_517, %scan3A_518 : i32
    %scan3A_520 = arith.constant 1 : i32
    scf.for %scan3A_528 = %scan3A_517 to %scan3A_519 step %scan3A_520  : i32 {
      %mul3A_529 = arith.constant 2 : i32
      %mul3A_530 = arith.muli %mul3A_529, %scan3A_528 : i32
      %dma_wait3A_531 = arith.constant 0 : i32
      %dma_wait3A_532 = tpu.memref_slice %arg6[%mul3A_530, %dma_wait3A_531] : memref<40x125xi32, #tpu.memory_space<vmem>> -> memref<1x125xi32, #tpu.memory_space<vmem>>
      %dma_wait3A_533 = tpu.memref_squeeze %dma_wait3A_532 : memref<1x125xi32, #tpu.memory_space<vmem>> -> memref<125xi32, #tpu.memory_space<vmem>>
      %dma_wait3A_534 = arith.constant 0 : i32
      %dma_wait3A_535 = arith.constant 0 : i32
      %dma_wait3A_536 = tpu.memref_slice %arg2[%dma_wait3A_534, %dma_wait3A_535] : memref<10000x128xf32, #tpu.memory_space<hbm>> -> memref<10000x128xf32, #tpu.memory_space<hbm>>
      tpu.wait_indirect_dma semaphore(%arg12 : memref<!tpu.dma_semaphore, #tpu.memory_space<semaphore_mem>>) src(%dma_wait3A_536 : memref<10000x128xf32, #tpu.memory_space<hbm>>) dst(%arg8 : memref<125x128xf32, #tpu.memory_space<vmem>>)
      "tpu.region"() ({
        %run_scoped3A = tpu.sem_alloc : memref<!tpu.dma_semaphore, #tpu.memory_space<semaphore_mem>>
        %dma_start3A_558 = arith.constant 0 : i32
        %dma_start3A_559 = tpu.memref_slice %arg7[%mul3A_530, %dma_start3A_558] : memref<40x125xi32, #tpu.memory_space<vmem>> -> memref<1x125xi32, #tpu.memory_space<vmem>>
        %dma_start3A_560 = tpu.memref_squeeze %dma_start3A_559 : memref<1x125xi32, #tpu.memory_space<vmem>> -> memref<125xi32, #tpu.memory_space<vmem>>
        %dma_start3A_561 = arith.constant 0 : i32
        %dma_start3A_562 = arith.constant 0 : i32
        %dma_start3A_563 = tpu.memref_slice %arg11[%dma_start3A_561, %dma_start3A_562] : memref<10000x128xf32, #tpu.memory_space<vmem_shared>> -> memref<10000x128xf32, #tpu.memory_space<vmem_shared>>
        tpu.enqueue_indirect_dma source(%arg8 : memref<125x128xf32, #tpu.memory_space<vmem>>) target(%dma_start3A_563 : memref<10000x128xf32, #tpu.memory_space<vmem_shared>>) offsets(%dma_start3A_560 : memref<125xi32, #tpu.memory_space<vmem>>) semaphore(%run_scoped3A : memref<!tpu.dma_semaphore, #tpu.memory_space<semaphore_mem>>) {add = true}
        %dma_wait3A_564 = arith.constant 0 : i32
        %dma_wait3A_565 = tpu.memref_slice %arg7[%mul3A_530, %dma_wait3A_564] : memref<40x125xi32, #tpu.memory_space<vmem>> -> memref<1x125xi32, #tpu.memory_space<vmem>>
        %dma_wait3A_566 = tpu.memref_squeeze %dma_wait3A_565 : memref<1x125xi32, #tpu.memory_space<vmem>> -> memref<125xi32, #tpu.memory_space<vmem>>
        %dma_wait3A_567 = arith.constant 0 : i32
        %dma_wait3A_568 = arith.constant 0 : i32
        %dma_wait3A_569 = tpu.memref_slice %arg11[%dma_wait3A_567, %dma_wait3A_568] : memref<10000x128xf32, #tpu.memory_space<vmem_shared>> -> memref<10000x128xf32, #tpu.memory_space<vmem_shared>>
        tpu.wait_indirect_dma semaphore(%run_scoped3A : memref<!tpu.dma_semaphore, #tpu.memory_space<semaphore_mem>>) src(%arg8 : memref<125x128xf32, #tpu.memory_space<vmem>>) dst(%dma_wait3A_569 : memref<10000x128xf32, #tpu.memory_space<vmem_shared>>)
        tpu.yield
      }) : () -> ()
      %add3A_537 = arith.constant 1 : i32
      %add3A_538 = arith.addi %scan3A_528, %add3A_537 : i32
      %lt3A = arith.constant 20 : i32
      %lt3A_539 = arith.cmpi slt, %add3A_538, %lt3A : i32
      %convert_element_type3A_540 = arith.extui %lt3A_539 : i1 to i32
      %cond3A_541 = arith.constant 0 : i32
      %cond3A_542 = arith.cmpi ne, %convert_element_type3A_540, %cond3A_541 : i32
      scf.if %cond3A_542 {
        %add3A_558 = arith.constant 2 : i32
        %add3A_559 = arith.addi %mul3A_530, %add3A_558 : i32
        %dma_start3A_560 = arith.constant 0 : i32
        %dma_start3A_561 = tpu.memref_slice %arg6[%add3A_559, %dma_start3A_560] : memref<40x125xi32, #tpu.memory_space<vmem>> -> memref<1x125xi32, #tpu.memory_space<vmem>>
        %dma_start3A_562 = tpu.memref_squeeze %dma_start3A_561 : memref<1x125xi32, #tpu.memory_space<vmem>> -> memref<125xi32, #tpu.memory_space<vmem>>
        %dma_start3A_563 = arith.constant 0 : i32
        %dma_start3A_564 = arith.constant 0 : i32
        %dma_start3A_565 = tpu.memref_slice %arg2[%dma_start3A_563, %dma_start3A_564] : memref<10000x128xf32, #tpu.memory_space<hbm>> -> memref<10000x128xf32, #tpu.memory_space<hbm>>
        tpu.enqueue_indirect_dma source(%dma_start3A_565 : memref<10000x128xf32, #tpu.memory_space<hbm>>) target(%arg8 : memref<125x128xf32, #tpu.memory_space<vmem>>) offsets(%dma_start3A_562 : memref<125xi32, #tpu.memory_space<vmem>>) semaphore(%arg12 : memref<!tpu.dma_semaphore, #tpu.memory_space<semaphore_mem>>)
      } else {
      }
      %add3A_543 = arith.constant 1 : i32
      %add3A_544 = arith.addi %mul3A_530, %add3A_543 : i32
      %dma_wait3A_545 = arith.constant 0 : i32
      %dma_wait3A_546 = tpu.memref_slice %arg6[%add3A_544, %dma_wait3A_545] : memref<40x125xi32, #tpu.memory_space<vmem>> -> memref<1x125xi32, #tpu.memory_space<vmem>>
      %dma_wait3A_547 = tpu.memref_squeeze %dma_wait3A_546 : memref<1x125xi32, #tpu.memory_space<vmem>> -> memref<125xi32, #tpu.memory_space<vmem>>
      %dma_wait3A_548 = arith.constant 0 : i32
      %dma_wait3A_549 = arith.constant 0 : i32
      %dma_wait3A_550 = tpu.memref_slice %arg2[%dma_wait3A_548, %dma_wait3A_549] : memref<10000x128xf32, #tpu.memory_space<hbm>> -> memref<10000x128xf32, #tpu.memory_space<hbm>>
      tpu.wait_indirect_dma semaphore(%arg13 : memref<!tpu.dma_semaphore, #tpu.memory_space<semaphore_mem>>) src(%dma_wait3A_550 : memref<10000x128xf32, #tpu.memory_space<hbm>>) dst(%arg9 : memref<125x128xf32, #tpu.memory_space<vmem>>)
      "tpu.region"() ({
        %run_scoped3A = tpu.sem_alloc : memref<!tpu.dma_semaphore, #tpu.memory_space<semaphore_mem>>
        %dma_start3A_558 = arith.constant 0 : i32
        %dma_start3A_559 = tpu.memref_slice %arg7[%add3A_544, %dma_start3A_558] : memref<40x125xi32, #tpu.memory_space<vmem>> -> memref<1x125xi32, #tpu.memory_space<vmem>>
        %dma_start3A_560 = tpu.memref_squeeze %dma_start3A_559 : memref<1x125xi32, #tpu.memory_space<vmem>> -> memref<125xi32, #tpu.memory_space<vmem>>
        %dma_start3A_561 = arith.constant 0 : i32
        %dma_start3A_562 = arith.constant 0 : i32
        %dma_start3A_563 = tpu.memref_slice %arg11[%dma_start3A_561, %dma_start3A_562] : memref<10000x128xf32, #tpu.memory_space<vmem_shared>> -> memref<10000x128xf32, #tpu.memory_space<vmem_shared>>
        tpu.enqueue_indirect_dma source(%arg9 : memref<125x128xf32, #tpu.memory_space<vmem>>) target(%dma_start3A_563 : memref<10000x128xf32, #tpu.memory_space<vmem_shared>>) offsets(%dma_start3A_560 : memref<125xi32, #tpu.memory_space<vmem>>) semaphore(%run_scoped3A : memref<!tpu.dma_semaphore, #tpu.memory_space<semaphore_mem>>) {add = true}
        %dma_wait3A_564 = arith.constant 0 : i32
        %dma_wait3A_565 = tpu.memref_slice %arg7[%add3A_544, %dma_wait3A_564] : memref<40x125xi32, #tpu.memory_space<vmem>> -> memref<1x125xi32, #tpu.memory_space<vmem>>
        %dma_wait3A_566 = tpu.memref_squeeze %dma_wait3A_565 : memref<1x125xi32, #tpu.memory_space<vmem>> -> memref<125xi32, #tpu.memory_space<vmem>>
        %dma_wait3A_567 = arith.constant 0 : i32
        %dma_wait3A_568 = arith.constant 0 : i32
        %dma_wait3A_569 = tpu.memref_slice %arg11[%dma_wait3A_567, %dma_wait3A_568] : memref<10000x128xf32, #tpu.memory_space<vmem_shared>> -> memref<10000x128xf32, #tpu.memory_space<vmem_shared>>
        tpu.wait_indirect_dma semaphore(%run_scoped3A : memref<!tpu.dma_semaphore, #tpu.memory_space<semaphore_mem>>) src(%arg9 : memref<125x128xf32, #tpu.memory_space<vmem>>) dst(%dma_wait3A_569 : memref<10000x128xf32, #tpu.memory_space<vmem_shared>>)
        tpu.yield
      }) : () -> ()
      %add3A_551 = arith.constant 1 : i32
      %add3A_552 = arith.addi %scan3A_528, %add3A_551 : i32
      %lt3A_553 = arith.constant 20 : i32
      %lt3A_554 = arith.cmpi slt, %add3A_552, %lt3A_553 : i32
      %convert_element_type3A_555 = arith.extui %lt3A_554 : i1 to i32
      %cond3A_556 = arith.constant 0 : i32
      %cond3A_557 = arith.cmpi ne, %convert_element_type3A_555, %cond3A_556 : i32
      scf.if %cond3A_557 {
        %add3A_558 = arith.constant 2 : i32
        %add3A_559 = arith.addi %add3A_544, %add3A_558 : i32
        %dma_start3A_560 = arith.constant 0 : i32
        %dma_start3A_561 = tpu.memref_slice %arg6[%add3A_559, %dma_start3A_560] : memref<40x125xi32, #tpu.memory_space<vmem>> -> memref<1x125xi32, #tpu.memory_space<vmem>>
        %dma_start3A_562 = tpu.memref_squeeze %dma_start3A_561 : memref<1x125xi32, #tpu.memory_space<vmem>> -> memref<125xi32, #tpu.memory_space<vmem>>
        %dma_start3A_563 = arith.constant 0 : i32
        %dma_start3A_564 = arith.constant 0 : i32
        %dma_start3A_565 = tpu.memref_slice %arg2[%dma_start3A_563, %dma_start3A_564] : memref<10000x128xf32, #tpu.memory_space<hbm>> -> memref<10000x128xf32, #tpu.memory_space<hbm>>
        tpu.enqueue_indirect_dma source(%dma_start3A_565 : memref<10000x128xf32, #tpu.memory_space<hbm>>) target(%arg9 : memref<125x128xf32, #tpu.memory_space<vmem>>) offsets(%dma_start3A_562 : memref<125xi32, #tpu.memory_space<vmem>>) semaphore(%arg13 : memref<!tpu.dma_semaphore, #tpu.memory_space<semaphore_mem>>)
      } else {
      }
    }
    %scan3A_521 = arith.constant 20 : i32
    %barrier3A_522 = arith.constant 0 : index
    tpu.barrier barrier_id(%barrier3A_522)
    "tpu.region"() ({
      %run_scoped3A = tpu.sem_alloc : memref<!tpu.dma_semaphore, #tpu.memory_space<semaphore_mem>>
      %dma_start3A_528 = arith.constant 0 : i32
      %dma_start3A_529 = tpu.memref_slice %arg5[%arg0, %mul3A_8, %dma_start3A_528] : memref<2x10000x128xf32, #tpu.memory_space<hbm>> -> memref<1x624x128xf32, #tpu.memory_space<hbm>>
      %dma_start3A_530 = tpu.memref_squeeze %dma_start3A_529 : memref<1x624x128xf32, #tpu.memory_space<hbm>> -> memref<624x128xf32, #tpu.memory_space<hbm>>
      %dma_start3A_531 = arith.constant 0 : i32
      %dma_start3A_532 = tpu.memref_slice %arg11[%mul3A_8, %dma_start3A_531] : memref<10000x128xf32, #tpu.memory_space<vmem_shared>> -> memref<624x128xf32, #tpu.memory_space<vmem_shared>>
      tpu.enqueue_dma source(%dma_start3A_532 : memref<624x128xf32, #tpu.memory_space<vmem_shared>>) target(%dma_start3A_530 : memref<624x128xf32, #tpu.memory_space<hbm>>) target_semaphore(%run_scoped3A : memref<!tpu.dma_semaphore, #tpu.memory_space<semaphore_mem>>)
      %dma_wait3A_533 = arith.constant 0 : i32
      %dma_wait3A_534 = tpu.memref_slice %arg5[%arg0, %mul3A_8, %dma_wait3A_533] : memref<2x10000x128xf32, #tpu.memory_space<hbm>> -> memref<1x624x128xf32, #tpu.memory_space<hbm>>
      %dma_wait3A_535 = tpu.memref_squeeze %dma_wait3A_534 : memref<1x624x128xf32, #tpu.memory_space<hbm>> -> memref<624x128xf32, #tpu.memory_space<hbm>>
      %dma_wait3A_536 = arith.constant 0 : i32
      %dma_wait3A_537 = tpu.memref_slice %arg11[%mul3A_8, %dma_wait3A_536] : memref<10000x128xf32, #tpu.memory_space<vmem_shared>> -> memref<624x128xf32, #tpu.memory_space<vmem_shared>>
      tpu.wait_dma2 semaphore(%run_scoped3A : memref<!tpu.dma_semaphore, #tpu.memory_space<semaphore_mem>>) src(%dma_wait3A_537 : memref<624x128xf32, #tpu.memory_space<vmem_shared>>) dst(%dma_wait3A_535 : memref<624x128xf32, #tpu.memory_space<hbm>>)
      tpu.yield
    }) : () -> ()
    %eq3A_523 = arith.constant 15 : i32
    %eq3A_524 = arith.cmpi eq, %arg1, %eq3A_523 : i32
    %convert_element_type3A_525 = arith.extui %eq3A_524 : i1 to i32
    %cond3A_526 = arith.constant 0 : i32
    %cond3A_527 = arith.cmpi ne, %convert_element_type3A_525, %cond3A_526 : i32
    scf.if %cond3A_527 {
      "tpu.region"() ({
        %run_scoped3A = tpu.sem_alloc : memref<!tpu.dma_semaphore, #tpu.memory_space<semaphore_mem>>
        %dma_start3A_528 = arith.constant 9984 : i32
        %dma_start3A_529 = arith.constant 0 : i32
        %dma_start3A_530 = tpu.memref_slice %arg5[%arg0, %dma_start3A_528, %dma_start3A_529] : memref<2x10000x128xf32, #tpu.memory_space<hbm>> -> memref<1x16x128xf32, #tpu.memory_space<hbm>>
        %dma_start3A_531 = tpu.memref_squeeze %dma_start3A_530 : memref<1x16x128xf32, #tpu.memory_space<hbm>> -> memref<16x128xf32, #tpu.memory_space<hbm>>
        %dma_start3A_532 = arith.constant 9984 : i32
        %dma_start3A_533 = arith.constant 0 : i32
        %dma_start3A_534 = tpu.memref_slice %arg11[%dma_start3A_532, %dma_start3A_533] : memref<10000x128xf32, #tpu.memory_space<vmem_shared>> -> memref<16x128xf32, #tpu.memory_space<vmem_shared>>
        tpu.enqueue_dma source(%dma_start3A_534 : memref<16x128xf32, #tpu.memory_space<vmem_shared>>) target(%dma_start3A_531 : memref<16x128xf32, #tpu.memory_space<hbm>>) target_semaphore(%run_scoped3A : memref<!tpu.dma_semaphore, #tpu.memory_space<semaphore_mem>>)
        %dma_wait3A_535 = arith.constant 9984 : i32
        %dma_wait3A_536 = arith.constant 0 : i32
        %dma_wait3A_537 = tpu.memref_slice %arg5[%arg0, %dma_wait3A_535, %dma_wait3A_536] : memref<2x10000x128xf32, #tpu.memory_space<hbm>> -> memref<1x16x128xf32, #tpu.memory_space<hbm>>
        %dma_wait3A_538 = tpu.memref_squeeze %dma_wait3A_537 : memref<1x16x128xf32, #tpu.memory_space<hbm>> -> memref<16x128xf32, #tpu.memory_space<hbm>>
        %dma_wait3A_539 = arith.constant 9984 : i32
        %dma_wait3A_540 = arith.constant 0 : i32
        %dma_wait3A_541 = tpu.memref_slice %arg11[%dma_wait3A_539, %dma_wait3A_540] : memref<10000x128xf32, #tpu.memory_space<vmem_shared>> -> memref<16x128xf32, #tpu.memory_space<vmem_shared>>
        tpu.wait_dma2 semaphore(%run_scoped3A : memref<!tpu.dma_semaphore, #tpu.memory_space<semaphore_mem>>) src(%dma_wait3A_541 : memref<16x128xf32, #tpu.memory_space<vmem_shared>>) dst(%dma_wait3A_538 : memref<16x128xf32, #tpu.memory_space<hbm>>)
        tpu.yield
      }) : () -> ()
    } else {
    }
    return
  }
}

</mosaic_0001>

<sc_bundles>
// kernel: _segsum_sc.3.cloned.1.call-start
scs
__scs_entry_jumppad:
0x0: {  	(pc) =	sbr.rel $0x88, $3  }
0x1: {  	(tag) =	ssettag $0x0;
	lr =	simm.s32 $0x1  }
0x2: {  	[smem:$0x3F9E] =	sst lr;
	_ =	strace $0xD0000000  }
0x3: {  	_ = 	snop  }
0x4: {  	_ = 	snop  }
0x5: {  	_ = 	snop  }
0x6: {  	_ = 	snop  }
0x7: {  	_ = 	snop  }
__scs_overlays_trampoline_lowered:
0x8: {  	[smem:$0x3FAD] =	sst s0  }
0x9: {  	[smem:$0x3FAE] =	sst s1  }
0xa: {  	[smem:$0x3FAF] =	sst s2  }
0xb: {  	[smem:$0x3FB0] =	sst s3  }
0xc: {  	[smem:$0x3FB1] =	sst s4  }
0xd: {  	[smem:$0x3FB2] =	sst s5  }
0xe: {  	[smem:$0x3FB3] =	sst s6  }
0xf: {  	[smem:$0x3FB4] =	sst s7  }
0x10: {  	[smem:$0x3FB5] =	sst s8  }
0x11: {  	[smem:$0x3FB6] =	sst s9;
	s0 =	simm.s32 @!p0 $0x0  }
0x12: {  	s1 =	sld [smem:$0x3F9C];
	s0 =	simm.s32 @p0 $0x1  }
0x13: {  	[smem:$0x3FB7] =	sst s0;
	s0 =	simm.s32 @!p1 $0x0  }
0x14: {  	s2 =	sld [smem:$0x3F9B];
	s0 =	simm.s32 @p1 $0x1  }
0x15: {  	[smem:$0x3FB8] =	sst s0;
	s0 =	simm.s32 @!p2 $0x0  }
0x16: {  	s3 =	sld [smem:$0x3FDB];
	s0 =	simm.s32 @p2 $0x1  }
0x17: {  	s4 =	simm.s32 $0x1BF5;
	[smem:$0x3FBA] =	sst s0  }
0x18: {  	s0 =	sld [smem:$0x3F9D];
	_ =	swait.ge [sflag:s4], $0x0  }
0x19: {  	s7 =	sld [smem:$0x3F9E]  }
0x1a: {  	s8 =	sadd.s32 $0xFFFFE003, lr  }
0x1b: {  	s9 =	sadd.s32 $0xFFFFFEF7, lr;
	s5 =	simm.s32 $0xFFFFFFFF;
	p2 =	slt.u32 s8, $0xFFFFF086  }
0x1c: {  	p1 =	slt.u32 s9, $0xF7A;
	s5 =	simm.s32 @!p2 $0x0  }
0x1d: {  	s5 =	simm.s32 @p1 $0x1;
	p0 =	seq.s32 s7, s2  }
0x1e: {  	s7 =	smul.u32 @!p0 $0xF7A, s2;
	p2 =	seq.s32 @!p0 s5, $0x0  }
0x1f: {  	s9 =	smul.u32 $0xF7A, s1;
	s8 =	simm.s32 @!p0 $0x1BF5;
	p2 =	por !p2, p0  }
0x20: {  	[sflag:s8] =	ssyncset.s32 @!p0 $0xFFFFF086;
	s6 =	sadd.s32 @!p0 s3, s7;
	s7 =	simm.s32 @!p0 $0x108  }
0x21: {  	s3 =	sadd.s32 s3, s9;
	s6 =	sadd.s32 @!p0 $0x88, s6;
	s7 =	simm.s32 @p2 $0x1082  }
0x22: {  	[simem:s7], [sflag:s8] =	dma.local @!p0 [hbm:s6], $0xF7A  }
0x23: {  	s9 =	sor.u32 $0xD0000000, s2;
	s6 =	simm.s32 $0x108;
	_ =	swait.ge @!p0 [sflag:s8], $0x0  }
0x24: {  	s3 =	sadd.s32 $0x88, s3;
	s6 =	simm.s32 @!p1 $0x1082;
	[sflag:s4] =	ssyncset.s32 $0xFFFFF086  }
0x25: {  	[simem:s6], [sflag:s4] =	dma.local [hbm:s3], $0xF7A  }
0x26: {  	[smem:$0x3F9E] =	sst s1;
	(tag) =	ssettag s2;
	_ =	strace s9  }
0x27: {  	s1 =	sld [smem:$0x3FAE]  }
0x28: {  	s2 =	sld [smem:$0x3FAF]  }
0x29: {  	s4 =	sld [smem:$0x3FB1]  }
0x2a: {  	p0 =	seq.s32 s5, $0x0;
	s5 =	sld [smem:$0x3FB2]  }
0x2b: {  	s6 =	sld [smem:$0x3FB3]  }
0x2c: {  	s7 =	sld [smem:$0x3FB4]  }
0x2d: {  	s3 =	simm.s32 $0x108;
	s8 =	sld [smem:$0x3FB5]  }
0x2e: {  	s3 =	simm.s32 @!p0 $0x1082;
	s9 =	sld [smem:$0x3FB6]  }
0x2f: {  	lr =	sadd.s32 s0, s3;
	s0 =	sld [smem:$0x3FAD]  }
0x30: {  	s3 =	sld [smem:$0x3FB0]  }
0x31: {  	[smem:$0x3FB9] =	sst s10  }
0x32: {  	s10 =	sld [smem:$0x3FB7];
	_ =	sdelay $0x3  }
0x33: {  	p0 =	seq.s32 s10, $0x1;
	s10 =	sld [smem:$0x3FB9];
	_ =	sdelay $0x3  }
0x34: {  	[smem:$0x3FB9] =	sst s10  }
0x35: {  	s10 =	sld [smem:$0x3FB8];
	_ =	sdelay $0x3  }
0x36: {  	p1 =	seq.s32 s10, $0x1;
	s10 =	sld [smem:$0x3FB9];
	_ =	sdelay $0x3  }
0x37: {  	[smem:$0x3FB9] =	sst s10  }
0x38: {  	s10 =	sld [smem:$0x3FBA]  }
0x39: {  	_ = 	snop;
	(pc) =	sbr.ind lr, $3  }
0x3a: {  	_ = 	snop  }
0x3b: {  	_ = 	snop  }
0x3c: {  	p2 =	seq.s32 s10, $0x1;
	s10 =	sld [smem:$0x3FB9]  }
0x3d: {  	_ =	shalt  }
0x3e: {  	_ =	shalt  }
0x3f: {  	_ =	shalt  }
0x40: {  	_ =	shalt  }
0x41: {  	_ =	shalt  }
0x42: {  	_ =	shalt  }
0x43: {  	_ =	shalt  }
0x44: {  	_ =	shalt  }
0x45: {  	_ =	shalt  }
0x46: {  	_ =	shalt  }
0x47: {  	_ =	shalt  }
0x48: {  	_ =	shalt  }
0x49: {  	_ =	shalt  }
0x4a: {  	_ =	shalt  }
0x4b: {  	_ =	shalt  }
0x4c: {  	_ =	shalt  }
0x4d: {  	_ =	shalt  }
0x4e: {  	_ =	shalt  }
0x4f: {  	_ =	shalt  }
0x50: {  	_ =	shalt  }
0x51: {  	_ =	shalt  }
0x52: {  	_ =	shalt  }
0x53: {  	_ =	shalt  }
0x54: {  	_ =	shalt  }
0x55: {  	_ =	shalt  }
0x56: {  	_ =	shalt  }
0x57: {  	_ =	shalt  }
0x58: {  	_ =	shalt  }
0x59: {  	_ =	shalt  }
0x5a: {  	_ =	shalt  }
0x5b: {  	_ =	shalt  }
0x5c: {  	_ =	shalt  }
0x5d: {  	_ =	shalt  }
0x5e: {  	_ =	shalt  }
0x5f: {  	_ =	shalt  }
0x60: {  	_ =	shalt  }
0x61: {  	_ =	shalt  }
0x62: {  	_ =	shalt  }
0x63: {  	_ =	shalt  }
0x64: {  	_ =	shalt  }
0x65: {  	_ =	shalt  }
0x66: {  	_ =	shalt  }
0x67: {  	_ =	shalt  }
0x68: {  	_ =	shalt  }
0x69: {  	_ =	shalt  }
0x6a: {  	_ =	shalt  }
0x6b: {  	_ =	shalt  }
0x6c: {  	_ =	shalt  }
0x6d: {  	_ =	shalt  }
0x6e: {  	_ =	shalt  }
0x6f: {  	_ =	shalt  }
0x70: {  	_ =	shalt  }
0x71: {  	_ =	shalt  }
0x72: {  	_ =	shalt  }
0x73: {  	_ =	shalt  }
0x74: {  	_ =	shalt  }
0x75: {  	_ =	shalt  }
0x76: {  	_ =	shalt  }
0x77: {  	_ =	shalt  }
0x78: {  	_ =	shalt  }
0x79: {  	_ =	shalt  }
0x7a: {  	_ =	shalt  }
0x7b: {  	_ =	shalt  }
0x7c: {  	_ =	shalt  }
0x7d: {  	_ =	shalt  }
0x7e: {  	_ =	shalt  }
0x7f: {  	_ =	shalt  }
0x80: {  	_ =	shalt  }
0x81: {  	_ =	shalt  }
0x82: {  	_ =	shalt  }
0x83: {  	_ =	shalt  }
0x84: {  	_ =	shalt  }
0x85: {  	_ =	shalt  }
0x86: {  	_ =	shalt  }
0x87: {  	_ =	shalt  }
.Lfunc_end0:
.L_simem_size_0:
called_computation_lowered:
.L_overlay_start_0:
0x88: {  	s2 =	sld [smem:$0x3FD9]  }
0x89: {  	s3 =	sld [smem:$0x3FFE];
	_ =	sdelay $0x1  }
0x8a: {  	s1 =	srdreg.scid  }
0x8b: {  	s0 =	sand.u32 $0x1, s1  }
0x8c: {  	s18 =	sshll.u32 s0, $0xA;
	s2 =	sadd.s32 s3, s2  }
0x8d: {  	s2 =	sadd.s32 s2, s18  }
0x8e: {  	[smem:$0x3FC5] =	sst s2  }
0x8f: {  	_ = 	snop  }
0x90: {  	s2 =	sld [smem:$0x3FC9]  }
0x91: {  	s19 =	sld [smem:$0x3FC8]  }
0x92: {  	s4 =	sld [smem:$0x3FC7]  }
0x93: {  	s5 =	sld [smem:$0x3FD0];
	(tm) =	ssettm $0x1  }
0x94: {  	s6 =	sld [smem:$0x3FFB];
	_ =	sdelay $0x3  }
0x95: {  	_ =	strace s6  }
0x96: {  	s6 =	sld [smem:$0x3FFC];
	_ =	sdelay $0x3  }
0x97: {  	_ =	strace s6  }
0x98: {  	s6 =	sld [smem:$0x3FFD];
	_ =	sdelay $0x3  }
0x99: {  	_ =	strace s6  }
0x9a: {  	_ =	strace $0x8FFFFFFF  }
0x9b: {  	s20 =	sld [smem:$0x3FDB];
	_ =	sdelay $0x1  }
0x9c: {  	s7 =	simm.s32 $_scs_section_size  }
0x9d: {  	s8 =	simm.s32 $_size__tile_overlayer_lowered;
	s9 =	simm.s32 $_tile_overlayer_lowered  }
0x9e: {  	s23 =	simm.s32 $0x1BFF;
	s22 =	sshll.u32 s9, $0x1;
	s6 =	sadd.s32 s7, s20  }
0x9f: {  	s10 =	simm.s32 $0x0;
	s21 =	sshll.u32 s8, $0x1;
	s8 =	sadd.s32 s22, s6  }
0xa0: {  	[timem:s10], [sflag:s23] =	dma.local [hbm:s8], s21  }
0xa1: {  	_ =	swait.ge [sflag:s23], s21  }
0xa2: {  	s7 =	ssub.s32 $0x0, s21;
	[sflag:s23] =	ssyncset.done $0x0  }
0xa3: {  	[sflag:s23] =	ssyncadd.s32 s7;
	_ =	sdelay $0x1  }
0xa4: {  	s24 =	simm.s32 $0x1B8B  }
0xa5: {  	_ =	swait.ge [sflag:s24], $0x1  }
0xa6: {  	[sflag:s24] =	ssyncset.done $0x0  }
0xa7: {  	s25 =	simm.s32 $0x1B8E;
	[sflag:s24] =	ssyncadd.s32 $0xFFFFFFFF  }
0xa8: {  	s26 =	simm.s32 $execute0_lowered;
	[smem:$0x3FD2] =	sst s25  }
0xa9: {  	s7 =	sshll.u32 s26, $0x1;
	_ =	strace $0x80000046;
	[dreg:$0x1] =	wrdreg $0xFFFFFFFF  }
0xaa: {  	s28 =	simm.s32 $_size_execute0_lowered;
	s6 =	sadd.s32 s6, s7;
	[dreg:$0x0] =	wrdreg $0x0  }
0xab: {  	s7 =	sshll.u32 s28, $0x1;
	[dreg:$0x2] =	wrdreg s6  }
0xac: {  	[dreg:$0x3] =	wrdreg s7  }
0xad: {  	[dreg:$0x4] =	wrdreg $0xC0  }
0xae: {  	_ =	task [dreg:s10], $0x5FFFF  }
0xaf: {  	[dreg:$0x1] =	wrdreg $0xFFFFFFFF  }
0xb0: {  	[dreg:$0x0] =	wrdreg $0x60  }
0xb1: {  	[dreg:$0x2] =	wrdreg s2  }
0xb2: {  	[dreg:$0x3] =	wrdreg s19  }
0xb3: {  	[dreg:$0x4] =	wrdreg s4  }
0xb4: {  	[dreg:$0x5] =	wrdreg s5  }
0xb5: {  	[dreg:$0x6] =	wrdreg $0xB0000  }
0xb6: {  	[dreg:$0x7] =	wrdreg $0x9  }
0xb7: {  	_ =	task.clear_ibuf [dreg:s10], $0x8FFFF;
	_ =	strace $0x90000046  }
0xb8: {  	s29 =	simm.s32 $0x9;
	_ =	strace $0x80000048  }
0xb9: {  	_ =	swait.ge [sflag:s29], $0x1  }
0xba: {  	[sflag:s29] =	ssyncadd.s32 $0xFFFFFFFF  }
0xbb: {  	_ =	strace $0x90000048  }
0xbc: {  	_ =	sfence  }
0xbd: {  	s30 =	sld [smem:$0x0];
	_ =	sdelay $0x2  }
0xbe: {  	s31 =	sshll.u32 s1, $0xD;
	s1 =	sshrl.u32 s1, $0x2  }
0xbf: {  	s3 =	sand.u32 $0x4000, s31;
	s1 =	sadd.s32 s1, s30  }
0xc0: {  	s0 =	sor.u32 s3, s0;
	s1 =	sshll.u32 s1, $0x11  }
0xc1: {  	s0 =	sor.u32 s1, s0  }
0xc2: {  	s0 =	sadd.s32 $0x8F2B, s0  }
0xc3: {  	[sflag:s0] =	ssyncadd.remote.s32 $0x1  }
0xc4: {  	_ =	sfence.sel $0xFFFF  }
0xc5: {  	[dreg:$0x0] =	wrdreg $0xFFFFFFFF;
	(pc) =	sbr.abs _section_cstart, $3  }
0xc6: {  	[dreg:$0x1] =	wrdreg $0xFFFFFFFF  }
0xc7: {  	_ =	task.clear_ibuf [dreg:s10], $0x2FFFF;
	_ =	strace $0x9FFFFFFF  }
0xc8: {  	(tm) =	ssettm $0x7FFFFFFF  }
0xc9: {  	_ =	shalt  }
tec
execute0_lowered:
.L_overlay_start_1:
0x0: {  	(tag) =	ssettag $0x1  }
0x1: {  	s1 =	rddreg [dreg:$0x0]  }
0x2: {  	s0 =	rddreg [dreg:$0x1]  }
0x3: {  	s2 =	rddreg [dreg:$0x2]  }
0x4: {  	s6 =	rddreg [dreg:$0x3];
	s11 =	stileid.u32  }
0x5: {  	s5 =	srdreg.scid;
	s26 =	smul.u32 $0x4E000, s11  }
0x6: {  	s3 =	rddreg [dreg:$0x4];
	s4 =	simm.s32 $0x0;
	s7 =	sand.u32 $0x1, s5  }
0x7: {  	[smem:$0x7FF] =	sst s4;
	s8 =	ssub.s32 $0x2, s7;
	s5 =	sshrl.u32 s26, $0x2  }
0x8: {  	s10 =	sshll.u32 s7, $0x4;
	s9 =	sshrl.u32 s8, $0x1;
	s5 =	sadd.s32 s5, s3  }
0x9: {  	s8 =	ssub.s32 s8, s9;
	s9 =	sor.u32 s11, s10;
	s10 =	sadd.s32 $0x800, s5  }
0xa: {  	_ =	strace $0x80000047;
	s12 =	sadd.s32 $0x1000, s5;
	[dreg:$0x6] =	wrdreg s10  }
0xb: {  	s13 =	sadd.s32 $0x1800, s5;
	[dreg:$0x7] =	wrdreg s12  }
0xc: {  	s14 =	sadd.s32 $0x2000, s5;
	[dreg:$0x8] =	wrdreg s13  }
0xd: {  	s15 =	sadd.s32 $0x2800, s5;
	[dreg:$0x9] =	wrdreg s14  }
0xe: {  	s16 =	sadd.s32 $0x3000, s5;
	[dreg:$0xa] =	wrdreg s15  }
0xf: {  	s17 =	sadd.s32 $0x3800, s5;
	[dreg:$0xb] =	wrdreg s16  }
0x10: {  	s18 =	sadd.s32 $0x4000, s5;
	[dreg:$0xc] =	wrdreg s17  }
0x11: {  	s19 =	sadd.s32 $0x4800, s5;
	[dreg:$0xd] =	wrdreg s18  }
0x12: {  	s20 =	sadd.s32 $0x5000, s5;
	[dreg:$0xe] =	wrdreg s19  }
0x13: {  	s21 =	sadd.s32 $0x5800, s5;
	[dreg:$0xf] =	wrdreg s20  }
0x14: {  	s22 =	smul.u32 $0x13800, s11;
	s23 =	sadd.s32 $0x6800, s5;
	[dreg:$0x10] =	wrdreg s21  }
0x15: {  	s7 =	smul.u32 $0x138800, s7;
	s26 =	sadd.s32 $0x7000, s5;
	[dreg:$0x12] =	wrdreg s23  }
0x16: {  	p0 =	sne.s32 s11, $0xF;
	s11 =	sadd.s32 $0x8800, s5;
	[dreg:$0x13] =	wrdreg s26  }
0x17: {  	s24 =	sadd.s32 s22, s7;
	s22 =	sadd.s32 $0xD000, s5;
	[dreg:$0x19] =	wrdreg s11  }
0x18: {  	s28 =	simm.s32 $0x3;
	s12 =	sadd.s32 $0x6000, s5;
	[smem:$0x7F9] =	sst s22  }
0x19: {  	s29 =	simm.s32 $0x7D;
	s10 =	sadd.s32 $0x8000, s5;
	[dreg:$0x11] =	wrdreg s12  }
0x1a: {  	s30 =	simm.s32 $0x2800;
	s13 =	sadd.s32 $0x9000, s5;
	[dreg:$0x18] =	wrdreg s10  }
0x1b: {  	s31 =	simm.s32 $0x2;
	s14 =	sadd.s32 $0x9800, s5;
	[dreg:$0x1a] =	wrdreg s13  }
0x1c: {  	s25 =	sshrl.u32 s7, $0x3;
	s15 =	sadd.s32 $0xA000, s5;
	[dreg:$0x1b] =	wrdreg s14  }
0x1d: {  	s9 =	smul.u32 $0x500, s9;
	s16 =	sadd.s32 $0xA800, s5;
	[dreg:$0x1c] =	wrdreg s15  }
0x1e: {  	s17 =	sadd.s32 $0xB000, s5;
	s18 =	sadd.s32 $0xB800, s5;
	[dreg:$0x1d] =	wrdreg s16  }
0x1f: {  	s19 =	sadd.s32 $0xC000, s5;
	s21 =	sadd.s32 $0xC800, s5;
	[dreg:$0x1e] =	wrdreg s17  }
0x20: {  	s23 =	sadd.s32 $0xD800, s5;
	s26 =	sadd.s32 $0xF000, s5;
	[dreg:$0x1f] =	wrdreg s18  }
0x21: {  	s22 =	sadd.s32 $0x12800, s5;
	s12 =	sadd.s32 s0, s9;
	[smem:$0x7F7] =	sst s19  }
0x22: {  	s20 =	sadd.s32 s2, s9;
	s0 =	sshrl.u32 s24, $0x3;
	[smem:$0x7F8] =	sst s21  }
0x23: {  	s2 =	sadd.s32 s6, s25;
	s9 =	smax.u32 s8, $0x1;
	[smem:$0x7FA] =	sst s23  }
0x24: {  	s24 =	sadd.s32 $0xE000, s5;
	s25 =	sadd.s32 $0xE800, s5;
	[smem:$0x7FD] =	sst s26  }
0x25: {  	s14 =	sadd.s32 $0xF800, s5;
	s15 =	sadd.s32 $0x10000, s5;
	s16 =	sadd.s32 $0x10800, s5  }
0x26: {  	s17 =	sadd.s32 $0x11000, s5;
	s18 =	sadd.s32 $0x11800, s5;
	s21 =	sadd.s32 $0x12000, s5  }
0x27: {  	s23 =	sadd.s32 $0x13000, s5;
	s26 =	simm.s32 $0xA800;
	[dreg:$0x17] =	wrdreg s9  }
0x28: {  	s19 =	simm.s32 $0x1400;
	s8 =	simm.s32 $0x2780;
	[smem:$0x7FB] =	sst s24  }
0x29: {  	s0 =	sadd.s32 s6, s0;
	s6 =	sadd.s32 $0x7800, s5;
	[smem:$0x7FC] =	sst s25  }
0x2a: {  	s7 =	sadd.s32 $0x27000, s2;
	s24 =	sadd.s32 $0x138000, s3;
	[dreg:$0x14] =	wrdreg s0  }
0x2b: {  	s13 =	smov.u32 s12;
	s25 =	sadd.s32 $0x280, s12;
	[dreg:$0x15] =	wrdreg s6  }
0x2c: {  	s2 =	simm.s32 $0x6800;
	s9 =	simm.s32 $0x0;
	[dreg:$0x16] =	wrdreg s7  }
0x2d: {  	v0 =	vimm.f32 $0.0e+00;
	s0 =	simm.s32 $0x80;
	s6 =	simm.s32 $0x1;
	s7 =	simm.s32 $0x2700  }
.LBB2_1:
0x2e: {  	s10 =	simm.s32 $0x0;
	s11 =	simm.s32 $0x200  }
.LBB2_2:
0x2f: {  	p1 =	sne.s32 s11, $0x1E00;
	[tilespmem:s10+$0xA870] =	vst v0  }
0x30: {  	[tilespmem:s10+$0xA800] =	vst v0  }
0x31: {  	[tilespmem:s10+$0xA810] =	vst v0  }
.Ltmp0:
0x32: {  	[tilespmem:s10+$0xA820] =	vst v0;
	(pc) =	sbr.rel @p1 .LBB2_2-.Ltmp0, $4  }
0x33: {  	[tilespmem:s10+$0xA830] =	vst v0  }
0x34: {  	[tilespmem:s10+$0xA840] =	vst v0  }
0x35: {  	[tilespmem:s10+$0xA850] =	vst v0  }
0x36: {  	[tilespmem:s10+$0xA860] =	vst v0;
	s10 =	sshra.s32 s11, $0x2;
	s11 =	sadd.s32 $0x200, s11  }
0x37: {  	[tilespmem:s10+$0xA870] =	vst v0  }
0x38: {  	[tilespmem:s10+$0xA800] =	vst v0  }
0x39: {  	[tilespmem:s10+$0xA810] =	vst v0  }
0x3a: {  	[tilespmem:s10+$0xA820] =	vst v0  }
0x3b: {  	[tilespmem:s10+$0xA830] =	vst v0  }
0x3c: {  	[tilespmem:s10+$0xA840] =	vst v0  }
0x3d: {  	[tilespmem:s10+$0xA850] =	vst v0  }
0x3e: {  	[tilespmem:s10+$0xA860] =	vst v0;
	s12 =	rddreg [dreg:$0x6]  }
0x3f: {  	[spmem:s5] =	stream.linear.scatter [tilespmem:s26], [sflag:$0x2], $0x800, $0x38;
	[tilespmem:$0x1E880] =	vst v63  }
0x40: {  	s11 =	rddreg [dreg:$0x7]  }
0x41: {  	[spmem:s12] =	stream.linear.scatter [tilespmem:s26], [sflag:$0x2], $0x800, $0x38;
	[tilespmem:$0x1E880] =	vst v63  }
0x42: {  	s12 =	rddreg [dreg:$0x8]  }
0x43: {  	[spmem:s11] =	stream.linear.scatter [tilespmem:s26], [sflag:$0x2], $0x800, $0x38;
	[tilespmem:$0x1E880] =	vst v63  }
0x44: {  	s11 =	rddreg [dreg:$0x9]  }
0x45: {  	[spmem:s12] =	stream.linear.scatter [tilespmem:s26], [sflag:$0x2], $0x800, $0x38;
	[tilespmem:$0x1E880] =	vst v63  }
0x46: {  	s12 =	rddreg [dreg:$0xa]  }
0x47: {  	[spmem:s11] =	stream.linear.scatter [tilespmem:s26], [sflag:$0x2], $0x800, $0x38;
	[tilespmem:$0x1E880] =	vst v63  }
0x48: {  	s11 =	rddreg [dreg:$0xb]  }
0x49: {  	[spmem:s12] =	stream.linear.scatter [tilespmem:s26], [sflag:$0x2], $0x800, $0x38;
	[tilespmem:$0x1E880] =	vst v63  }
0x4a: {  	s12 =	rddreg [dreg:$0xc]  }
0x4b: {  	[spmem:s11] =	stream.linear.scatter [tilespmem:s26], [sflag:$0x2], $0x800, $0x38;
	[tilespmem:$0x1E880] =	vst v63  }
0x4c: {  	s11 =	rddreg [dreg:$0xd]  }
0x4d: {  	[spmem:s12] =	stream.linear.scatter [tilespmem:s26], [sflag:$0x2], $0x800, $0x38;
	[tilespmem:$0x1E880] =	vst v63  }
0x4e: {  	s12 =	rddreg [dreg:$0xe]  }
0x4f: {  	[spmem:s11] =	stream.linear.scatter [tilespmem:s26], [sflag:$0x2], $0x800, $0x38;
	[tilespmem:$0x1E880] =	vst v63  }
0x50: {  	s11 =	rddreg [dreg:$0xf]  }
0x51: {  	[spmem:s12] =	stream.linear.scatter [tilespmem:s26], [sflag:$0x2], $0x800, $0x38;
	[tilespmem:$0x1E880] =	vst v63  }
0x52: {  	s12 =	rddreg [dreg:$0x10]  }
0x53: {  	[spmem:s11] =	stream.linear.scatter [tilespmem:s26], [sflag:$0x2], $0x800, $0x38;
	[tilespmem:$0x1E880] =	vst v63  }
0x54: {  	s11 =	rddreg [dreg:$0x11]  }
0x55: {  	[spmem:s12] =	stream.linear.scatter [tilespmem:s26], [sflag:$0x2], $0x800, $0x38;
	[tilespmem:$0x1E880] =	vst v63  }
0x56: {  	s12 =	rddreg [dreg:$0x12]  }
0x57: {  	[spmem:s11] =	stream.linear.scatter [tilespmem:s26], [sflag:$0x2], $0x800, $0x38;
	[tilespmem:$0x1E880] =	vst v63  }
0x58: {  	s11 =	rddreg [dreg:$0x13]  }
0x59: {  	[spmem:s12] =	stream.linear.scatter [tilespmem:s26], [sflag:$0x2], $0x800, $0x38;
	[tilespmem:$0x1E880] =	vst v63  }
0x5a: {  	s12 =	rddreg [dreg:$0x15]  }
0x5b: {  	[spmem:s11] =	stream.linear.scatter [tilespmem:s26], [sflag:$0x2], $0x800, $0x38;
	[tilespmem:$0x1E880] =	vst v63  }
0x5c: {  	s11 =	rddreg [dreg:$0x18]  }
0x5d: {  	[spmem:s12] =	stream.linear.scatter [tilespmem:s26], [sflag:$0x2], $0x800, $0x38;
	[tilespmem:$0x1E880] =	vst v63  }
0x5e: {  	s12 =	rddreg [dreg:$0x19]  }
0x5f: {  	[spmem:s11] =	stream.linear.scatter [tilespmem:s26], [sflag:$0x2], $0x800, $0x38;
	[tilespmem:$0x1E880] =	vst v63  }
0x60: {  	s11 =	rddreg [dreg:$0x1a]  }
0x61: {  	[spmem:s12] =	stream.linear.scatter [tilespmem:s26], [sflag:$0x2], $0x800, $0x38;
	[tilespmem:$0x1E880] =	vst v63  }
0x62: {  	s12 =	rddreg [dreg:$0x1b]  }
0x63: {  	[spmem:s11] =	stream.linear.scatter [tilespmem:s26], [sflag:$0x2], $0x800, $0x38;
	[tilespmem:$0x1E880] =	vst v63  }
0x64: {  	s11 =	rddreg [dreg:$0x1c]  }
0x65: {  	[spmem:s12] =	stream.linear.scatter [tilespmem:s26], [sflag:$0x2], $0x800, $0x38;
	[tilespmem:$0x1E880] =	vst v63  }
0x66: {  	s12 =	rddreg [dreg:$0x1d]  }
0x67: {  	[spmem:s11] =	stream.linear.scatter [tilespmem:s26], [sflag:$0x2], $0x800, $0x38;
	[tilespmem:$0x1E880] =	vst v63  }
0x68: {  	s11 =	rddreg [dreg:$0x1e]  }
0x69: {  	[spmem:s12] =	stream.linear.scatter [tilespmem:s26], [sflag:$0x2], $0x800, $0x38;
	[tilespmem:$0x1E880] =	vst v63  }
0x6a: {  	s12 =	rddreg [dreg:$0x1f]  }
0x6b: {  	[spmem:s11] =	stream.linear.scatter [tilespmem:s26], [sflag:$0x2], $0x800, $0x38;
	[tilespmem:$0x1E880] =	vst v63  }
0x6c: {  	s11 =	sld [smem:$0x7F7]  }
0x6d: {  	[spmem:s12] =	stream.linear.scatter [tilespmem:s26], [sflag:$0x2], $0x800, $0x38;
	[tilespmem:$0x1E880] =	vst v63  }
0x6e: {  	s12 =	sld [smem:$0x7F8]  }
0x6f: {  	[spmem:s11] =	stream.linear.scatter [tilespmem:s26], [sflag:$0x2], $0x800, $0x38;
	[tilespmem:$0x1E880] =	vst v63  }
0x70: {  	s11 =	sld [smem:$0x7F9]  }
0x71: {  	[spmem:s12] =	stream.linear.scatter [tilespmem:s26], [sflag:$0x2], $0x800, $0x38;
	[tilespmem:$0x1E880] =	vst v63  }
0x72: {  	s12 =	sld [smem:$0x7FA]  }
0x73: {  	[spmem:s11] =	stream.linear.scatter [tilespmem:s26], [sflag:$0x2], $0x800, $0x38;
	[tilespmem:$0x1E880] =	vst v63  }
0x74: {  	s11 =	sld [smem:$0x7FB]  }
0x75: {  	[spmem:s12] =	stream.linear.scatter [tilespmem:s26], [sflag:$0x2], $0x800, $0x38;
	[tilespmem:$0x1E880] =	vst v63  }
0x76: {  	s12 =	sld [smem:$0x7FC]  }
0x77: {  	[spmem:s11] =	stream.linear.scatter [tilespmem:s26], [sflag:$0x2], $0x800, $0x38;
	[tilespmem:$0x1E880] =	vst v63  }
0x78: {  	s11 =	sld [smem:$0x7FD]  }
0x79: {  	[spmem:s12] =	stream.linear.scatter [tilespmem:s26], [sflag:$0x2], $0x800, $0x38;
	[tilespmem:$0x1E880] =	vst v63  }
0x7a: {  	_ = 	snop  }
0x7b: {  	[spmem:s11] =	stream.linear.scatter [tilespmem:s26], [sflag:$0x2], $0x800, $0x38;
	[tilespmem:$0x1E880] =	vst v63  }
0x7c: {  	_ = 	snop  }
0x7d: {  	[spmem:s14] =	stream.linear.scatter [tilespmem:s26], [sflag:$0x2], $0x800, $0x38;
	[tilespmem:$0x1E880] =	vst v63  }
0x7e: {  	_ = 	snop  }
0x7f: {  	[spmem:s15] =	stream.linear.scatter [tilespmem:s26], [sflag:$0x2], $0x800, $0x38;
	[tilespmem:$0x1E880] =	vst v63  }
0x80: {  	_ = 	snop  }
0x81: {  	[spmem:s16] =	stream.linear.scatter [tilespmem:s26], [sflag:$0x2], $0x800, $0x38;
	[tilespmem:$0x1E880] =	vst v63  }
0x82: {  	_ = 	snop  }
0x83: {  	[spmem:s17] =	stream.linear.scatter [tilespmem:s26], [sflag:$0x2], $0x800, $0x38;
	[tilespmem:$0x1E880] =	vst v63  }
0x84: {  	_ = 	snop  }
0x85: {  	[spmem:s18] =	stream.linear.scatter [tilespmem:s26], [sflag:$0x2], $0x800, $0x38;
	[tilespmem:$0x1E880] =	vst v63  }
0x86: {  	_ = 	snop  }
0x87: {  	[spmem:s21] =	stream.linear.scatter [tilespmem:s26], [sflag:$0x2], $0x800, $0x38;
	[tilespmem:$0x1E880] =	vst v63  }
0x88: {  	_ = 	snop  }
0x89: {  	[spmem:s22] =	stream.linear.scatter [tilespmem:s26], [sflag:$0x2], $0x800, $0x38;
	[tilespmem:$0x1E880] =	vst v63  }
0x8a: {  	_ = 	snop  }
0x8b: {  	[spmem:s23] =	stream.linear.scatter [tilespmem:s26], [sflag:$0x2], $0x800, $0x38;
	[tilespmem:$0x1E880] =	vst v63  }
0x8c: {  	s10 =	simm.s32 @!p0 $0xA800  }
0x8d: {  	[spmem:s24] =	stream.linear.scatter @!p0 [tilespmem:s10], [sflag:$0x2], $0x800, $0x38;
	[tilespmem:$0x1E880] =	vst v63  }
0x8e: {  	_ = 	snop  }
0x8f: {  	[tilespmem:s4], [sflag:$0x3] =	stream.linear.gather [hbm4b:s13+s4], $0x1400, $0x38;
	[tilespmem:$0x1E880] =	vst v63  }
0x90: {  	_ =	swait.ge [sflag:s28], $0x1400  }
0x91: {  	[sflag:s28] =	ssyncset.done $0x0  }
0x92: {  	[sflag:s28] =	ssyncadd.s32 $0xFFFFEC00  }
0x93: {  	[tilespmem:s19], [sflag:$0x3] =	stream.linear.gather [hbm4b:s20+s4], $0x1400, $0x38;
	[tilespmem:$0x1E880] =	vst v63  }
0x94: {  	_ =	swait.ge [sflag:s28], $0x1400  }
0x95: {  	[sflag:s28] =	ssyncset.done $0x0  }
0x96: {  	[sflag:s28] =	ssyncadd.s32 $0xFFFFEC00  }
0x97: {  	[tilespmem:s30], [sflag:$0x1] =	stream.indirect.gather [hbm4b:s1+s29], $0x80, s4, s29, $0xb8;
	[tilespmem:$0x1E880] =	vst v63  }
0x98: {  	_ =	swait.ge [sflag:s31], $0x800  }
0x99: {  	[sflag:s31] =	ssyncset.done $0x0  }
0x9a: {  	[sflag:s31] =	ssyncadd.s32 $0xFFFFF800  }
0x9b: {  	_ =	swait.ge [sflag:s31], $0x800  }
0x9c: {  	[sflag:s31] =	ssyncset.done $0x0  }
0x9d: {  	[sflag:s31] =	ssyncadd.s32 $0xFFFFF800  }
0x9e: {  	_ =	swait.ge [sflag:s31], $0x800  }
0x9f: {  	[sflag:s31] =	ssyncset.done $0x0  }
0xa0: {  	[sflag:s31] =	ssyncadd.s32 $0xFFFFF800  }
0xa1: {  	_ =	swait.ge [sflag:s31], $0x800  }
0xa2: {  	[sflag:s31] =	ssyncset.done $0x0  }
0xa3: {  	[sflag:s31] =	ssyncadd.s32 $0xFFFFF800  }
0xa4: {  	_ =	swait.ge [sflag:s31], $0x800  }
0xa5: {  	[sflag:s31] =	ssyncset.done $0x0  }
0xa6: {  	[sflag:s31] =	ssyncadd.s32 $0xFFFFF800  }
0xa7: {  	_ =	swait.ge [sflag:s31], $0x800  }
0xa8: {  	[sflag:s31] =	ssyncset.done $0x0  }
0xa9: {  	[sflag:s31] =	ssyncadd.s32 $0xFFFFF800  }
0xaa: {  	_ =	swait.ge [sflag:s31], $0x800  }
0xab: {  	[sflag:s31] =	ssyncset.done $0x0  }
0xac: {  	[sflag:s31] =	ssyncadd.s32 $0xFFFFF800  }
0xad: {  	_ =	swait.ge [sflag:s31], $0x800  }
0xae: {  	[sflag:s31] =	ssyncset.done $0x0  }
0xaf: {  	[sflag:s31] =	ssyncadd.s32 $0xFFFFF800  }
0xb0: {  	_ =	swait.ge [sflag:s31], $0x800  }
0xb1: {  	[sflag:s31] =	ssyncset.done $0x0  }
0xb2: {  	[sflag:s31] =	ssyncadd.s32 $0xFFFFF800  }
0xb3: {  	_ =	swait.ge [sflag:s31], $0x800  }
0xb4: {  	[sflag:s31] =	ssyncset.done $0x0  }
0xb5: {  	[sflag:s31] =	ssyncadd.s32 $0xFFFFF800  }
0xb6: {  	_ =	swait.ge [sflag:s31], $0x800  }
0xb7: {  	[sflag:s31] =	ssyncset.done $0x0  }
0xb8: {  	[sflag:s31] =	ssyncadd.s32 $0xFFFFF800  }
0xb9: {  	_ =	swait.ge [sflag:s31], $0x800  }
0xba: {  	[sflag:s31] =	ssyncset.done $0x0  }
0xbb: {  	[sflag:s31] =	ssyncadd.s32 $0xFFFFF800  }
0xbc: {  	_ =	swait.ge [sflag:s31], $0x800  }
0xbd: {  	[sflag:s31] =	ssyncset.done $0x0  }
0xbe: {  	[sflag:s31] =	ssyncadd.s32 $0xFFFFF800  }
0xbf: {  	_ =	swait.ge [sflag:s31], $0x800  }
0xc0: {  	[sflag:s31] =	ssyncset.done $0x0  }
0xc1: {  	[sflag:s31] =	ssyncadd.s32 $0xFFFFF800  }
0xc2: {  	_ =	swait.ge [sflag:s31], $0x800  }
0xc3: {  	[sflag:s31] =	ssyncset.done $0x0  }
0xc4: {  	[sflag:s31] =	ssyncadd.s32 $0xFFFFF800  }
0xc5: {  	_ =	swait.ge [sflag:s31], $0x800  }
0xc6: {  	[sflag:s31] =	ssyncset.done $0x0  }
0xc7: {  	[sflag:s31] =	ssyncadd.s32 $0xFFFFF800  }
0xc8: {  	_ =	swait.ge [sflag:s31], $0x800  }
0xc9: {  	[sflag:s31] =	ssyncset.done $0x0  }
0xca: {  	[sflag:s31] =	ssyncadd.s32 $0xFFFFF800  }
0xcb: {  	_ =	swait.ge [sflag:s31], $0x800  }
0xcc: {  	[sflag:s31] =	ssyncset.done $0x0  }
0xcd: {  	[sflag:s31] =	ssyncadd.s32 $0xFFFFF800  }
0xce: {  	_ =	swait.ge [sflag:s31], $0x800  }
0xcf: {  	[sflag:s31] =	ssyncset.done $0x0  }
0xd0: {  	[sflag:s31] =	ssyncadd.s32 $0xFFFFF800  }
0xd1: {  	_ =	swait.ge [sflag:s31], $0x800  }
0xd2: {  	[sflag:s31] =	ssyncset.done $0x0  }
0xd3: {  	[sflag:s31] =	ssyncadd.s32 $0xFFFFF800  }
0xd4: {  	_ =	swait.ge [sflag:s31], $0x800  }
0xd5: {  	[sflag:s31] =	ssyncset.done $0x0  }
0xd6: {  	[sflag:s31] =	ssyncadd.s32 $0xFFFFF800  }
0xd7: {  	_ =	swait.ge [sflag:s31], $0x800  }
0xd8: {  	[sflag:s31] =	ssyncset.done $0x0  }
0xd9: {  	[sflag:s31] =	ssyncadd.s32 $0xFFFFF800  }
0xda: {  	_ =	swait.ge [sflag:s31], $0x800  }
0xdb: {  	[sflag:s31] =	ssyncset.done $0x0  }
0xdc: {  	[sflag:s31] =	ssyncadd.s32 $0xFFFFF800  }
0xdd: {  	_ =	swait.ge [sflag:s31], $0x800  }
0xde: {  	[sflag:s31] =	ssyncset.done $0x0  }
0xdf: {  	[sflag:s31] =	ssyncadd.s32 $0xFFFFF800  }
0xe0: {  	_ =	swait.ge [sflag:s31], $0x800  }
0xe1: {  	[sflag:s31] =	ssyncset.done $0x0  }
0xe2: {  	[sflag:s31] =	ssyncadd.s32 $0xFFFFF800  }
0xe3: {  	_ =	swait.ge [sflag:s31], $0x800  }
0xe4: {  	[sflag:s31] =	ssyncset.done $0x0  }
0xe5: {  	[sflag:s31] =	ssyncadd.s32 $0xFFFFF800  }
0xe6: {  	_ =	swait.ge [sflag:s31], $0x800  }
0xe7: {  	[sflag:s31] =	ssyncset.done $0x0  }
0xe8: {  	[sflag:s31] =	ssyncadd.s32 $0xFFFFF800  }
0xe9: {  	_ =	swait.ge [sflag:s31], $0x800  }
0xea: {  	[sflag:s31] =	ssyncset.done $0x0  }
0xeb: {  	[sflag:s31] =	ssyncadd.s32 $0xFFFFF800  }
0xec: {  	_ =	swait.ge [sflag:s31], $0x800  }
0xed: {  	[sflag:s31] =	ssyncset.done $0x0  }
0xee: {  	[sflag:s31] =	ssyncadd.s32 $0xFFFFF800  }
0xef: {  	_ =	swait.ge [sflag:s31], $0x800  }
0xf0: {  	[sflag:s31] =	ssyncset.done $0x0  }
0xf1: {  	[sflag:s31] =	ssyncadd.s32 $0xFFFFF800  }
0xf2: {  	_ =	swait.ge [sflag:s31], $0x800  }
0xf3: {  	[sflag:s31] =	ssyncset.done $0x0  }
0xf4: {  	[sflag:s31] =	ssyncadd.s32 $0xFFFFF800  }
0xf5: {  	_ =	swait.ge [sflag:s31], $0x800  }
0xf6: {  	[sflag:s31] =	ssyncset.done $0x0  }
0xf7: {  	[sflag:s31] =	ssyncadd.s32 $0xFFFFF800  }
0xf8: {  	_ =	swait.ge [sflag:s31], $0x800  }
0xf9: {  	[sflag:s31] =	ssyncset.done $0x0  }
0xfa: {  	[sflag:s31] =	ssyncadd.s32 $0xFFFFF800  }
0xfb: {  	_ =	swait.ge [sflag:s31], $0x800  }
0xfc: {  	[sflag:s31] =	ssyncset.done $0x0  }
0xfd: {  	[sflag:s31] =	ssyncadd.s32 $0xFFFFF800  }
0xfe: {  	_ =	swait.ge [sflag:s31], $0x800  }
0xff: {  	[sflag:s31] =	ssyncset.done $0x0  }
0x100: {  	[sflag:s31] =	ssyncadd.s32 $0xFFFFF800  }
0x101: {  	_ =	swait.ge [sflag:s31], $0x800  }
0x102: {  	[sflag:s31] =	ssyncset.done $0x0  }
0x103: {  	[sflag:s31] =	ssyncadd.s32 $0xFFFFF800  }
0x104: {  	_ =	swait.ge [sflag:s31], $0x800  }
0x105: {  	[sflag:s31] =	ssyncset.done $0x0  }
0x106: {  	[sflag:s31] =	ssyncadd.s32 $0xFFFFF800  }
0x107: {  	_ =	swait.ge [sflag:s31], $0x800  }
0x108: {  	[sflag:s31] =	ssyncset.done $0x0  }
0x109: {  	[sflag:s31] =	ssyncadd.s32 $0xFFFFF800  }
0x10a: {  	_ =	swait.ge [sflag:s31], $0x800  }
0x10b: {  	[sflag:s31] =	ssyncset.done $0x0  }
0x10c: {  	s10 =	simm.s32 @!p0 $0x2;
	[sflag:s31] =	ssyncadd.s32 $0xFFFFF800  }
0x10d: {  	_ =	swait.ge @!p0 [sflag:s10], $0x800  }
0x10e: {  	[sflag:s10] =	ssyncset.done @!p0 $0x0  }
0x10f: {  	[sflag:s10] =	ssyncadd.s32 @!p0 $0xFFFFF800  }
0x110: {  	[tilespmem:s2], [sflag:$0x2] =	stream.indirect.gather [hbm4b:s1+s29], $0x80, s0, s29, $0xb8;
	[tilespmem:$0x1E880] =	vst v63  }
0x111: {  	[bflag:$0x0] =	sbarrier.arrive $0xFFFF  }
0x112: {  	_ =	swait.ge [sflag:s6], $0x3E80  }
0x113: {  	[sflag:s6] =	ssyncset.done $0x0  }
0x114: {  	s12 =	simm.s32 $0x1400;
	[sflag:s6] =	ssyncadd.s32 $0xFFFFC180  }
0x115: {  	[spmem:s3] =	stream.indirect.scatter.add.f32 [tilespmem:s30], [sflag:$0x3], $0x80, s12, s29, $0xb8;
	[tilespmem:$0x1E880] =	vst v63  }
0x116: {  	_ =	swait.ge [sflag:s28], $0x3E80  }
0x117: {  	[sflag:s28] =	ssyncset.done $0x0  }
0x118: {  	s11 =	simm.s32 $0x100;
	[sflag:s28] =	ssyncadd.s32 $0xFFFFC180  }
0x119: {  	[tilespmem:s30], [sflag:$0x1] =	stream.indirect.gather [hbm4b:s1+s29], $0x80, s11, s29, $0xb8;
	[tilespmem:$0x1E880] =	vst v63  }
0x11a: {  	_ =	swait.ge [sflag:s31], $0x3E80  }
0x11b: {  	[sflag:s31] =	ssyncset.done $0x0  }
0x11c: {  	s12 =	simm.s32 $0x1480;
	[sflag:s31] =	ssyncadd.s32 $0xFFFFC180  }
0x11d: {  	[spmem:s3] =	stream.indirect.scatter.add.f32 [tilespmem:s2], [sflag:$0x3], $0x80, s12, s29, $0xb8;
	[tilespmem:$0x1E880] =	vst v63  }
0x11e: {  	_ =	swait.ge [sflag:s28], $0x3E80  }
0x11f: {  	[sflag:s28] =	ssyncset.done $0x0  }
0x120: {  	s10 =	simm.s32 $0x400;
	s11 =	simm.s32 $0x180;
	[sflag:s28] =	ssyncadd.s32 $0xFFFFC180  }
.LBB2_4:
0x121: {  	[tilespmem:s2], [sflag:$0x2] =	stream.indirect.gather [hbm4b:s1+s29], $0x80, s11, s29, $0xb8;
	[tilespmem:$0x1E880] =	vst v63  }
0x122: {  	s11 =	smov.u32 s10  }
0x123: {  	p1 =	sne.s32 s10, $0x4800;
	s10 =	sadd.s32 $0x400, s10;
	_ =	swait.ge [sflag:s6], $0x3E80  }
0x124: {  	s11 =	sshra.s32 s11, $0x2;
	[sflag:s6] =	ssyncset.done $0x0  }
0x125: {  	s12 =	sadd.s32 $0x1400, s11;
	[sflag:s6] =	ssyncadd.s32 $0xFFFFC180  }
0x126: {  	[spmem:s3] =	stream.indirect.scatter.add.f32 [tilespmem:s30], [sflag:$0x3], $0x80, s12, s29, $0xb8;
	[tilespmem:$0x1E880] =	vst v63  }
0x127: {  	_ =	swait.ge [sflag:s28], $0x3E80  }
0x128: {  	[sflag:s28] =	ssyncset.done $0x0  }
0x129: {  	s12 =	sadd.s32 $0x100, s11;
	[sflag:s28] =	ssyncadd.s32 $0xFFFFC180  }
0x12a: {  	[tilespmem:s30], [sflag:$0x1] =	stream.indirect.gather [hbm4b:s1+s29], $0x80, s12, s29, $0xb8;
	[tilespmem:$0x1E880] =	vst v63  }
0x12b: {  	_ =	swait.ge [sflag:s31], $0x3E80  }
0x12c: {  	[sflag:s31] =	ssyncset.done $0x0  }
.Ltmp1:
0x12d: {  	s12 =	sadd.s32 $0x1480, s11;
	[sflag:s31] =	ssyncadd.s32 $0xFFFFC180;
	(pc) =	sbr.rel @p1 .LBB2_4-.Ltmp1, $4  }
0x12e: {  	[spmem:s3] =	stream.indirect.scatter.add.f32 [tilespmem:s2], [sflag:$0x3], $0x80, s12, s29, $0xb8;
	[tilespmem:$0x1E880] =	vst v63  }
0x12f: {  	_ =	swait.ge [sflag:s28], $0x3E80  }
0x130: {  	[sflag:s28] =	ssyncset.done $0x0  }
0x131: {  	s11 =	sadd.s32 $0x180, s11;
	[sflag:s28] =	ssyncadd.s32 $0xFFFFC180  }
0x132: {  	[tilespmem:s2], [sflag:$0x2] =	stream.indirect.gather [hbm4b:s1+s29], $0x80, s11, s29, $0xb8;
	[tilespmem:$0x1E880] =	vst v63  }
0x133: {  	_ =	swait.ge [sflag:s6], $0x3E80  }
0x134: {  	[sflag:s6] =	ssyncset.done $0x0  }
0x135: {  	[sflag:s6] =	ssyncadd.s32 $0xFFFFC180  }
0x136: {  	[spmem:s3] =	stream.indirect.scatter.add.f32 [tilespmem:s30], [sflag:$0x3], $0x80, s7, s29, $0xb8;
	[tilespmem:$0x1E880] =	vst v63  }
0x137: {  	_ =	swait.ge [sflag:s28], $0x3E80  }
0x138: {  	[sflag:s28] =	ssyncset.done $0x0  }
0x139: {  	[sflag:s28] =	ssyncadd.s32 $0xFFFFC180  }
0x13a: {  	_ =	swait.ge [sflag:s31], $0x3E80  }
0x13b: {  	[sflag:s31] =	ssyncset.done $0x0  }
0x13c: {  	[sflag:s31] =	ssyncadd.s32 $0xFFFFC180  }
0x13d: {  	[spmem:s3] =	stream.indirect.scatter.add.f32 [tilespmem:s2], [sflag:$0x3], $0x80, s8, s29, $0xb8;
	[tilespmem:$0x1E880] =	vst v63  }
0x13e: {  	_ =	swait.ge [sflag:s28], $0x3E80  }
0x13f: {  	[sflag:s28] =	ssyncset.done $0x0  }
0x140: {  	s10 =	simm.s32 $0x0;
	[sflag:s28] =	ssyncadd.s32 $0xFFFFC180  }
0x141: {  	[tilespmem:s10], [sflag:$0x3] =	stream.linear.gather [hbm4b:s25+s10], $0x1400, $0x38;
	[tilespmem:$0x1E880] =	vst v63  }
0x142: {  	_ =	swait.ge [sflag:s28], $0x1400  }
0x143: {  	[sflag:s28] =	ssyncset.done $0x0  }
0x144: {  	s12 =	sadd.s32 $0x280, s20;
	[sflag:s28] =	ssyncadd.s32 $0xFFFFEC00  }
0x145: {  	[tilespmem:s19], [sflag:$0x3] =	stream.linear.gather [hbm4b:s12+s10], $0x1400, $0x38;
	[tilespmem:$0x1E880] =	vst v63  }
0x146: {  	_ =	swait.ge [sflag:s28], $0x1400  }
0x147: {  	[sflag:s28] =	ssyncset.done $0x0  }
0x148: {  	[sflag:s28] =	ssyncadd.s32 $0xFFFFEC00  }
0x149: {  	[tilespmem:s30], [sflag:$0x1] =	stream.indirect.gather [hbm4b:s1+s29], $0x80, s10, s29, $0xb8;
	[tilespmem:$0x1E880] =	vst v63  }
0x14a: {  	_ = 	snop  }
0x14b: {  	[tilespmem:s2], [sflag:$0x2] =	stream.indirect.gather [hbm4b:s1+s29], $0x80, s0, s29, $0xb8;
	[tilespmem:$0x1E880] =	vst v63  }
0x14c: {  	_ =	swait.ge [sflag:s6], $0x3E80  }
0x14d: {  	[sflag:s6] =	ssyncset.done $0x0  }
0x14e: {  	s12 =	simm.s32 $0x1400;
	[sflag:s6] =	ssyncadd.s32 $0xFFFFC180  }
0x14f: {  	[spmem:s3] =	stream.indirect.scatter.add.f32 [tilespmem:s30], [sflag:$0x3], $0x80, s12, s29, $0xb8;
	[tilespmem:$0x1E880] =	vst v63  }
0x150: {  	_ =	swait.ge [sflag:s28], $0x3E80  }
0x151: {  	[sflag:s28] =	ssyncset.done $0x0  }
0x152: {  	s11 =	simm.s32 $0x100;
	[sflag:s28] =	ssyncadd.s32 $0xFFFFC180  }
0x153: {  	[tilespmem:s30], [sflag:$0x1] =	stream.indirect.gather [hbm4b:s1+s29], $0x80, s11, s29, $0xb8;
	[tilespmem:$0x1E880] =	vst v63  }
0x154: {  	_ =	swait.ge [sflag:s31], $0x3E80  }
0x155: {  	[sflag:s31] =	ssyncset.done $0x0  }
0x156: {  	s12 =	simm.s32 $0x1480;
	[sflag:s31] =	ssyncadd.s32 $0xFFFFC180  }
0x157: {  	[spmem:s3] =	stream.indirect.scatter.add.f32 [tilespmem:s2], [sflag:$0x3], $0x80, s12, s29, $0xb8;
	[tilespmem:$0x1E880] =	vst v63  }
0x158: {  	_ =	swait.ge [sflag:s28], $0x3E80  }
0x159: {  	[sflag:s28] =	ssyncset.done $0x0  }
0x15a: {  	s10 =	simm.s32 $0x400;
	s11 =	simm.s32 $0x180;
	[sflag:s28] =	ssyncadd.s32 $0xFFFFC180  }
.LBB2_6:
0x15b: {  	[tilespmem:s2], [sflag:$0x2] =	stream.indirect.gather [hbm4b:s1+s29], $0x80, s11, s29, $0xb8;
	[tilespmem:$0x1E880] =	vst v63  }
0x15c: {  	s11 =	smov.u32 s10  }
0x15d: {  	p1 =	sne.s32 s10, $0x4800;
	s10 =	sadd.s32 $0x400, s10;
	_ =	swait.ge [sflag:s6], $0x3E80  }
0x15e: {  	s11 =	sshra.s32 s11, $0x2;
	[sflag:s6] =	ssyncset.done $0x0  }
0x15f: {  	s12 =	sadd.s32 $0x1400, s11;
	[sflag:s6] =	ssyncadd.s32 $0xFFFFC180  }
0x160: {  	[spmem:s3] =	stream.indirect.scatter.add.f32 [tilespmem:s30], [sflag:$0x3], $0x80, s12, s29, $0xb8;
	[tilespmem:$0x1E880] =	vst v63  }
0x161: {  	_ =	swait.ge [sflag:s28], $0x3E80  }
0x162: {  	[sflag:s28] =	ssyncset.done $0x0  }
0x163: {  	s12 =	sadd.s32 $0x100, s11;
	[sflag:s28] =	ssyncadd.s32 $0xFFFFC180  }
0x164: {  	[tilespmem:s30], [sflag:$0x1] =	stream.indirect.gather [hbm4b:s1+s29], $0x80, s12, s29, $0xb8;
	[tilespmem:$0x1E880] =	vst v63  }
0x165: {  	_ =	swait.ge [sflag:s31], $0x3E80  }
0x166: {  	[sflag:s31] =	ssyncset.done $0x0  }
.Ltmp2:
0x167: {  	s12 =	sadd.s32 $0x1480, s11;
	[sflag:s31] =	ssyncadd.s32 $0xFFFFC180;
	(pc) =	sbr.rel @p1 .LBB2_6-.Ltmp2, $4  }
0x168: {  	[spmem:s3] =	stream.indirect.scatter.add.f32 [tilespmem:s2], [sflag:$0x3], $0x80, s12, s29, $0xb8;
	[tilespmem:$0x1E880] =	vst v63  }
0x169: {  	_ =	swait.ge [sflag:s28], $0x3E80  }
0x16a: {  	[sflag:s28] =	ssyncset.done $0x0  }
0x16b: {  	s11 =	sadd.s32 $0x180, s11;
	[sflag:s28] =	ssyncadd.s32 $0xFFFFC180  }
0x16c: {  	[tilespmem:s2], [sflag:$0x2] =	stream.indirect.gather [hbm4b:s1+s29], $0x80, s11, s29, $0xb8;
	[tilespmem:$0x1E880] =	vst v63  }
0x16d: {  	_ =	swait.ge [sflag:s6], $0x3E80  }
0x16e: {  	[sflag:s6] =	ssyncset.done $0x0  }
0x16f: {  	[sflag:s6] =	ssyncadd.s32 $0xFFFFC180  }
0x170: {  	[spmem:s3] =	stream.indirect.scatter.add.f32 [tilespmem:s30], [sflag:$0x3], $0x80, s7, s29, $0xb8;
	[tilespmem:$0x1E880] =	vst v63  }
0x171: {  	_ =	swait.ge [sflag:s28], $0x3E80  }
0x172: {  	[sflag:s28] =	ssyncset.done $0x0  }
0x173: {  	[sflag:s28] =	ssyncadd.s32 $0xFFFFC180  }
0x174: {  	_ =	swait.ge [sflag:s31], $0x3E80  }
0x175: {  	[sflag:s31] =	ssyncset.done $0x0  }
0x176: {  	[sflag:s31] =	ssyncadd.s32 $0xFFFFC180  }
0x177: {  	[spmem:s3] =	stream.indirect.scatter.add.f32 [tilespmem:s2], [sflag:$0x3], $0x80, s8, s29, $0xb8;
	[tilespmem:$0x1E880] =	vst v63  }
0x178: {  	_ =	swait.ge [sflag:s28], $0x3E80  }
0x179: {  	[sflag:s28] =	ssyncset.done $0x0  }
0x17a: {  	s10 =	stileid.u32;
	[sflag:s28] =	ssyncadd.s32 $0xFFFFC180  }
0x17b: {  	s10 =	sshll.u32 s10, $0x6;
	[bflag:$0x0] =	sbarrier.arrive $0xFFFF  }
0x17c: {  	s11 =	sshrl.u32 s5, $0x3;
	s10 =	sor.u32 $0x1C03, s10;
	s12 =	rddreg [dreg:$0x14]  }
0x17d: {  	[hbm:s12], [sflag:s10] =	dma.local [spmem:s11], $0x2700  }
0x17e: {  	_ =	swait.ge [sflag:s28], $0x2700  }
0x17f: {  	[sflag:s28] =	ssyncset.done $0x0  }
0x180: {  	s11 =	sshrl.u32 @!p0 s24, $0x3;
	s12 =	rddreg [dreg:$0x16];
	[sflag:s28] =	ssyncadd.s32 $0xFFFFD900  }
0x181: {  	[hbm:s12], [sflag:s10] =	dma.local @!p0 [spmem:s11], $0x100  }
0x182: {  	s10 =	simm.s32 @!p0 $0x3  }
0x183: {  	_ =	swait.ge @!p0 [sflag:s10], $0x100  }
0x184: {  	s9 =	sadd.s32 $0x1, s9;
	s12 =	rddreg [dreg:$0x17]  }
0x185: {  	p1 =	sne.s32 s9, s12  }
.Ltmp3:
0x186: {  	_ = 	snop;
	(pc) =	sbr.rel @p1 .LBB2_1-.Ltmp3, $3  }
0x187: {  	_ =	sdelay $0x1  }
0x188: {  	[sflag:s10] =	ssyncset.done @!p0 $0x0  }
0x189: {  	[sflag:s10] =	ssyncadd.s32 @!p0 $0xFFFFFF00  }
0x18a: {  	_ =	sfence.sel $0x180000  }
0x18b: {  	[bflag:$0x0] =	sbarrier.arrive $0xFFFF  }
0x18c: {  	_ =	strace $0x90000047  }
0x18d: {  	s0 =	stileid.u32;
	[bflag:$0x2] =	sbarrier.arrive $0xFFFF  }
0x18e: {  	p0 =	sne.s32 s0, $0x0;
	s0 =	rddreg [dreg:$0x5]  }
0x18f: {  	s0 =	sadd.s32 @!p0 $0x100000, s0  }
0x190: {  	[sflag:s0] =	ssyncadd.tile.s32 @!p0 $0x1;
	_ =	shalt  }
.Lfunc_end2:
_tile_overlayer_lowered:
.L_overlay_start_2:
0x191: {  	(tag) =	ssettag $0x2  }
0x192: {  	s0 =	rddreg [dreg:$0x0];
	s2 =	stileid.u32  }
0x193: {  	s1 =	rddreg [dreg:$0x1];
	p0 =	sne.s32 s2, $0x0  }
0x194: {  	s3 =	rddreg [dreg:$0x2];
	[bflag:$0x3] =	sbarrier.arrive $0xFFFF;
	s2 =	simm.s32 @!p0 $0x1C03  }
0x195: {  	[timem:s3], [sflag:s2] =	dma.local @!p0 [hbm:s0], s1  }
0x196: {  	s0 =	simm.s32 @!p0 $0x3  }
0x197: {  	_ =	swait.ge @!p0 [sflag:s0], s1  }
0x198: {  	s1 =	ssub.s32 @!p0 $0x0, s1;
	[sflag:s0] =	ssyncset.done @!p0 $0x0  }
0x199: {  	[sflag:s0] =	ssyncadd.s32 @!p0 s1  }
0x19a: {  	[bflag:$0x3] =	sbarrier.arrive $0xFFFF  }
0x19b: {  	_ =	shalt  }

</sc_bundles>
